<compile_context>
chip_gen: v7x
topology: tpu7x:2x2x1
jax: 0.10.2.dev20260603
libtpu: 0.0.44.dev20260713+nightly
codegen_flags: <defaults>
</compile_context>

<pallas_src>
import jax
import jax.numpy as jnp
from jax import lax
from jax.experimental import pallas as pl
from jax.experimental.pallas import tpu as pltpu
from jax.experimental.pallas import tpu_sc as plsc

EMB = 64
ROW = 128
NUM_CORES = 2
NUM_SUBCORES = 16
NUM_WORKERS = NUM_CORES * NUM_SUBCORES
CHUNK = 128
LANES = 16


def _sc_embedding(table_pad, idx3):
    n_chunks = idx3.shape[1]
    b_per_w = n_chunks * CHUNK
    total = NUM_WORKERS * b_per_w
    mesh = plsc.VectorSubcoreMesh(core_axis_name="c", subcore_axis_name="s")

    def body(table_hbm, idx_hbm, out_hbm, mask_hbm,
             idx_v, mask_v, rows_v,
             sem_g0, sem_g1, sem_g2, sem_g3,
             sem_w0, sem_w1, sem_w2, sem_w3, sem_m):
        sems_g = (sem_g0, sem_g1, sem_g2, sem_g3)
        sems_w = (sem_w0, sem_w1, sem_w2, sem_w3)
        wid = lax.axis_index("s") * NUM_CORES + lax.axis_index("c")
        base = wid * b_per_w

        pltpu.sync_copy(idx_hbm.at[wid], idx_v)

        def start_gather(j, b):
            pltpu.async_copy(table_hbm.at[idx_v.at[j]], rows_v.at[b],
                             sems_g[b])

        def wait_gather(j, b):
            pltpu.make_async_copy(table_hbm.at[idx_v.at[j]], rows_v.at[b],
                                  sems_g[b]).wait()

        def start_write(j, b):
            pltpu.async_copy(rows_v.at[b, :, pl.ds(0, EMB)],
                             out_hbm.at[pl.ds(base + j * CHUNK, CHUNK),
                                        pl.ds(0, EMB)],
                             sems_w[b])

        def wait_write(j, b):
            pltpu.make_async_copy(rows_v.at[b, :, pl.ds(0, EMB)],
                                  out_hbm.at[pl.ds(base + j * CHUNK, CHUNK),
                                             pl.ds(0, EMB)],
                                  sems_w[b]).wait()

        def compute_mask(j):
            for i in range(CHUNK // LANES):
                v = idx_v[j, pl.ds(i * LANES, LANES)]
                mask_v[j, pl.ds(i * LANES, LANES)] = jnp.minimum(
                    v, 1).astype(jnp.float32)

        start_gather(0, 0)
        start_gather(1, 1)
        for j in (0, 1):
            start_gather(j + 2, j + 2)
            compute_mask(j)
            wait_gather(j, j)
            start_write(j, j)

        def group(g, _):
            for b in range(4):
                j = 2 + g * 4 + b
                jb = (2 + b) % 4
                lb = b
                wait_write(j - 2, lb)
                start_gather(j + 2, lb)
                compute_mask(j)
                wait_gather(j, jb)
                start_write(j, jb)
            return _

        lax.fori_loop(0, (n_chunks - 4) // 4, group, None)

        for j in (n_chunks - 2, n_chunks - 1):
            b = j % 4
            compute_mask(j)
            wait_gather(j, b)
            start_write(j, b)

        mask_copy = pltpu.make_async_copy(mask_v, mask_hbm.at[wid], sem_m)
        mask_copy.start()
        for j in range(n_chunks - 4, n_chunks):
            wait_write(j, j % 4)
        mask_copy.wait()

    run = pl.kernel(
        body,
        out_type=[
            jax.ShapeDtypeStruct((total, ROW), jnp.float32),
            jax.ShapeDtypeStruct((NUM_WORKERS, n_chunks, CHUNK),
                                 jnp.float32),
        ],
        mesh=mesh,
        compiler_params=pltpu.CompilerParams(use_tc_tiling_on_sc=False),
        scratch_types=[
            pltpu.VMEM((n_chunks, CHUNK), jnp.int32),
            pltpu.VMEM((n_chunks, CHUNK), jnp.float32),
            pltpu.VMEM((4, CHUNK, ROW), jnp.float32),
        ] + [pltpu.SemaphoreType.DMA] * 9,
    )
    return run(table_pad, idx3)


def _pad_table_tc(table):
    V = table.shape[0]
    B = 2048
    grid = (V + B - 1) // B

    def body(tt_ref, out_ref):
        out_ref[:, :EMB] = tt_ref[...].T

    return pl.pallas_call(
        body,
        grid=(grid,),
        in_specs=[pl.BlockSpec((EMB, B), lambda i: (0, i))],
        out_specs=pl.BlockSpec((B, ROW), lambda i: (i, 0)),
        out_shape=jax.ShapeDtypeStruct((V, ROW), jnp.float32),
    )(table.T)


def kernel(x, table):
    batch, seq = x.shape
    total = batch * seq
    n_chunks = total // (NUM_WORKERS * CHUNK)
    idx3 = x.astype(jnp.int32).reshape(NUM_WORKERS, n_chunks, CHUNK)
    table_pad = _pad_table_tc(table)
    rows, mask = _sc_embedding(table_pad, idx3)
    emb = rows[:, :EMB].reshape(batch, seq, EMB)
    return emb, mask.reshape(batch, seq)

# --- scband reference (transcript-rebuilt; emitter-appended) ---
"""Pipeline reference for scband-embedding-45071386804610 (READ-ONLY COPY).

The authoritative reference and input builder live on the scoring server;
editing this copy changes nothing except your own understanding.
"""

import jax, jax.numpy as jnp
import numpy as np

VOCAB = 1000000
EMB = 64
BATCH = 4096
SEQ = 200

def setup_inputs(seed: int = 0) -> dict:
    key = jax.random.key(seed)
    k_idx, k_tab = jax.random.split(key)
    x = jax.random.randint(k_idx, (BATCH, SEQ), 0, VOCAB, dtype=jnp.int64 if jax.config.jax_enable_x64 else jnp.int32)
    table = jax.random.normal(k_tab, (VOCAB, EMB), dtype=jnp.float32)
    # padding_idx=0: torch.nn.Embedding zeroes the padding row
    table = table.at[0].set(0.0)
    return {"x": x, "table": table}

def reference(x, table):
    # embeddings: batch x seq x emb via gather
    embeddings = jnp.take(table, x, axis=0)
    # mask: batch x seq, 1.0 where token != 0 (post-padded by 0s)
    mask = jnp.not_equal(x, 0).astype(jnp.float32)
    return (embeddings, mask)

if __name__ == "__main__":
    import jax
    _d = setup_inputs()
    print(jax.jit(kernel)(*tuple(_d.values())))

</pallas_src>

<mosaic_0001>
#map = affine_map<(d0, d1) -> (0, 0)>
#map1 = affine_map<(d0, d1) -> (0, 0, 0)>
module attributes {stable_mosaic.version = 14 : i64} {
  func.func @body(%arg0: i32, %arg1: i32, %arg2: memref<1000000x128xf32, #tpu.memory_space<hbm>>, %arg3: memref<32x200x128xi32, #tpu.memory_space<hbm>>, %arg4: memref<819200x128xf32, #tpu.memory_space<hbm>>, %arg5: memref<32x200x128xf32, #tpu.memory_space<hbm>>, %arg6: memref<200x128xi32, #tpu.memory_space<vmem>>, %arg7: memref<200x128xf32, #tpu.memory_space<vmem>>, %arg8: memref<4x128x128xf32, #tpu.memory_space<vmem>>, %arg9: memref<!tpu.dma_semaphore, #tpu.memory_space<semaphore_mem>>, %arg10: memref<!tpu.dma_semaphore, #tpu.memory_space<semaphore_mem>>, %arg11: memref<!tpu.dma_semaphore, #tpu.memory_space<semaphore_mem>>, %arg12: memref<!tpu.dma_semaphore, #tpu.memory_space<semaphore_mem>>, %arg13: memref<!tpu.dma_semaphore, #tpu.memory_space<semaphore_mem>>, %arg14: memref<!tpu.dma_semaphore, #tpu.memory_space<semaphore_mem>>, %arg15: memref<!tpu.dma_semaphore, #tpu.memory_space<semaphore_mem>>, %arg16: memref<!tpu.dma_semaphore, #tpu.memory_space<semaphore_mem>>, %arg17: memref<!tpu.dma_semaphore, #tpu.memory_space<semaphore_mem>>) attributes {dimension_semantics = [#tpu.dimension_semantics<core_parallel>, #tpu.dimension_semantics<subcore_parallel>], iteration_bounds = array<i64: 2, 16>, scalar_prefetch = 0 : i64, scratch_operands = 12 : i64, tpu.core_type = #tpu.core_type<sc_vector_subcore>, window_params = [{transform_indices = #map}, {transform_indices = #map1}, {transform_indices = #map}, {transform_indices = #map1}]} {
    %mul3A = arith.constant 2 : i32
    %mul3A_0 = arith.muli %arg1, %mul3A : i32
    %add3A = arith.addi %mul3A_0, %arg0 : i32
    %mul3A_1 = arith.constant 25600 : i32
    %mul3A_2 = arith.muli %add3A, %mul3A_1 : i32
    "tpu.region"() ({
      %run_scoped3A = tpu.sem_alloc : memref<!tpu.dma_semaphore, #tpu.memory_space<semaphore_mem>>
      %dma_start3A_713 = arith.constant 0 : i32
      %dma_start3A_714 = arith.constant 0 : i32
      %dma_start3A_715 = tpu.memref_slice %arg3[%add3A, %dma_start3A_713, %dma_start3A_714] : memref<32x200x128xi32, #tpu.memory_space<hbm>> -> memref<1x200x128xi32, #tpu.memory_space<hbm>>
      %dma_start3A_716 = tpu.memref_squeeze %dma_start3A_715 : memref<1x200x128xi32, #tpu.memory_space<hbm>> -> memref<200x128xi32, #tpu.memory_space<hbm>>
      %dma_start3A_717 = arith.constant 0 : i32
      %dma_start3A_718 = arith.constant 0 : i32
      %dma_start3A_719 = tpu.memref_slice %arg3[%add3A, %dma_start3A_717, %dma_start3A_718] : memref<32x200x128xi32, #tpu.memory_space<hbm>> -> memref<1x200x128xi32, #tpu.memory_space<hbm>>
      %dma_start3A_720 = tpu.memref_squeeze %dma_start3A_719 : memref<1x200x128xi32, #tpu.memory_space<hbm>> -> memref<200x128xi32, #tpu.memory_space<hbm>>
      tpu.enqueue_dma source(%dma_start3A_720 : memref<200x128xi32, #tpu.memory_space<hbm>>) target(%arg6 : memref<200x128xi32, #tpu.memory_space<vmem>>) target_semaphore(%run_scoped3A : memref<!tpu.dma_semaphore, #tpu.memory_space<semaphore_mem>>)
      %dma_wait3A_721 = arith.constant 0 : i32
      %dma_wait3A_722 = arith.constant 0 : i32
      %dma_wait3A_723 = tpu.memref_slice %arg3[%add3A, %dma_wait3A_721, %dma_wait3A_722] : memref<32x200x128xi32, #tpu.memory_space<hbm>> -> memref<1x200x128xi32, #tpu.memory_space<hbm>>
      %dma_wait3A_724 = tpu.memref_squeeze %dma_wait3A_723 : memref<1x200x128xi32, #tpu.memory_space<hbm>> -> memref<200x128xi32, #tpu.memory_space<hbm>>
      %dma_wait3A_725 = arith.constant 0 : i32
      %dma_wait3A_726 = arith.constant 0 : i32
      %dma_wait3A_727 = tpu.memref_slice %arg3[%add3A, %dma_wait3A_725, %dma_wait3A_726] : memref<32x200x128xi32, #tpu.memory_space<hbm>> -> memref<1x200x128xi32, #tpu.memory_space<hbm>>
      %dma_wait3A_728 = tpu.memref_squeeze %dma_wait3A_727 : memref<1x200x128xi32, #tpu.memory_space<hbm>> -> memref<200x128xi32, #tpu.memory_space<hbm>>
      tpu.wait_dma2 semaphore(%run_scoped3A : memref<!tpu.dma_semaphore, #tpu.memory_space<semaphore_mem>>) src(%dma_wait3A_728 : memref<200x128xi32, #tpu.memory_space<hbm>>) dst(%arg6 : memref<200x128xi32, #tpu.memory_space<vmem>>)
      tpu.yield
    }) : () -> ()
    %dma_start3A = arith.constant 0 : i32
    %dma_start3A_3 = arith.constant 0 : i32
    %dma_start3A_4 = arith.constant 0 : i32
    %dma_start3A_5 = arith.constant 0 : i32
    %dma_start3A_6 = tpu.memref_slice %arg8[%dma_start3A_3, %dma_start3A_4, %dma_start3A_5] : memref<4x128x128xf32, #tpu.memory_space<vmem>> -> memref<1x128x128xf32, #tpu.memory_space<vmem>>
    %dma_start3A_7 = tpu.memref_squeeze %dma_start3A_6 : memref<1x128x128xf32, #tpu.memory_space<vmem>> -> memref<128x128xf32, #tpu.memory_space<vmem>>
    %dma_start3A_8 = arith.constant 0 : i32
    %dma_start3A_9 = tpu.memref_slice %arg6[%dma_start3A, %dma_start3A_8] : memref<200x128xi32, #tpu.memory_space<vmem>> -> memref<1x128xi32, #tpu.memory_space<vmem>>
    %dma_start3A_10 = tpu.memref_squeeze %dma_start3A_9 : memref<1x128xi32, #tpu.memory_space<vmem>> -> memref<128xi32, #tpu.memory_space<vmem>>
    %dma_start3A_11 = arith.constant 0 : i32
    %dma_start3A_12 = arith.constant 0 : i32
    %dma_start3A_13 = tpu.memref_slice %arg2[%dma_start3A_11, %dma_start3A_12] : memref<1000000x128xf32, #tpu.memory_space<hbm>> -> memref<1000000x128xf32, #tpu.memory_space<hbm>>
    tpu.enqueue_indirect_dma source(%dma_start3A_13 : memref<1000000x128xf32, #tpu.memory_space<hbm>>) target(%dma_start3A_7 : memref<128x128xf32, #tpu.memory_space<vmem>>) offsets(%dma_start3A_10 : memref<128xi32, #tpu.memory_space<vmem>>) semaphore(%arg9 : memref<!tpu.dma_semaphore, #tpu.memory_space<semaphore_mem>>)
    %dma_start3A_14 = arith.constant 1 : i32
    %dma_start3A_15 = arith.constant 1 : i32
    %dma_start3A_16 = arith.constant 0 : i32
    %dma_start3A_17 = arith.constant 0 : i32
    %dma_start3A_18 = tpu.memref_slice %arg8[%dma_start3A_15, %dma_start3A_16, %dma_start3A_17] : memref<4x128x128xf32, #tpu.memory_space<vmem>> -> memref<1x128x128xf32, #tpu.memory_space<vmem>>
    %dma_start3A_19 = tpu.memref_squeeze %dma_start3A_18 : memref<1x128x128xf32, #tpu.memory_space<vmem>> -> memref<128x128xf32, #tpu.memory_space<vmem>>
    %dma_start3A_20 = arith.constant 0 : i32
    %dma_start3A_21 = tpu.memref_slice %arg6[%dma_start3A_14, %dma_start3A_20] : memref<200x128xi32, #tpu.memory_space<vmem>> -> memref<1x128xi32, #tpu.memory_space<vmem>>
    %dma_start3A_22 = tpu.memref_squeeze %dma_start3A_21 : memref<1x128xi32, #tpu.memory_space<vmem>> -> memref<128xi32, #tpu.memory_space<vmem>>
    %dma_start3A_23 = arith.constant 0 : i32
    %dma_start3A_24 = arith.constant 0 : i32
    %dma_start3A_25 = tpu.memref_slice %arg2[%dma_start3A_23, %dma_start3A_24] : memref<1000000x128xf32, #tpu.memory_space<hbm>> -> memref<1000000x128xf32, #tpu.memory_space<hbm>>
    tpu.enqueue_indirect_dma source(%dma_start3A_25 : memref<1000000x128xf32, #tpu.memory_space<hbm>>) target(%dma_start3A_19 : memref<128x128xf32, #tpu.memory_space<vmem>>) offsets(%dma_start3A_22 : memref<128xi32, #tpu.memory_space<vmem>>) semaphore(%arg10 : memref<!tpu.dma_semaphore, #tpu.memory_space<semaphore_mem>>)
    %dma_start3A_26 = arith.constant 2 : i32
    %dma_start3A_27 = arith.constant 2 : i32
    %dma_start3A_28 = arith.constant 0 : i32
    %dma_start3A_29 = arith.constant 0 : i32
    %dma_start3A_30 = tpu.memref_slice %arg8[%dma_start3A_27, %dma_start3A_28, %dma_start3A_29] : memref<4x128x128xf32, #tpu.memory_space<vmem>> -> memref<1x128x128xf32, #tpu.memory_space<vmem>>
    %dma_start3A_31 = tpu.memref_squeeze %dma_start3A_30 : memref<1x128x128xf32, #tpu.memory_space<vmem>> -> memref<128x128xf32, #tpu.memory_space<vmem>>
    %dma_start3A_32 = arith.constant 0 : i32
    %dma_start3A_33 = tpu.memref_slice %arg6[%dma_start3A_26, %dma_start3A_32] : memref<200x128xi32, #tpu.memory_space<vmem>> -> memref<1x128xi32, #tpu.memory_space<vmem>>
    %dma_start3A_34 = tpu.memref_squeeze %dma_start3A_33 : memref<1x128xi32, #tpu.memory_space<vmem>> -> memref<128xi32, #tpu.memory_space<vmem>>
    %dma_start3A_35 = arith.constant 0 : i32
    %dma_start3A_36 = arith.constant 0 : i32
    %dma_start3A_37 = tpu.memref_slice %arg2[%dma_start3A_35, %dma_start3A_36] : memref<1000000x128xf32, #tpu.memory_space<hbm>> -> memref<1000000x128xf32, #tpu.memory_space<hbm>>
    tpu.enqueue_indirect_dma source(%dma_start3A_37 : memref<1000000x128xf32, #tpu.memory_space<hbm>>) target(%dma_start3A_31 : memref<128x128xf32, #tpu.memory_space<vmem>>) offsets(%dma_start3A_34 : memref<128xi32, #tpu.memory_space<vmem>>) semaphore(%arg11 : memref<!tpu.dma_semaphore, #tpu.memory_space<semaphore_mem>>)
    %get3A = arith.constant 0 : i32
    %get3A_38 = arith.index_cast %get3A : i32 to index
    %get3A_39 = arith.constant 0 : index
    %get3A_40 = tpu.vector_load %arg6[%get3A_38, %get3A_39] {strides = array<i32>} : memref<200x128xi32, #tpu.memory_space<vmem>>, vector<1x16xi32>,
    %get3A_41 = vector.shape_cast %get3A_40 : vector<1x16xi32> to vector<16xi32>
    %min3A = arith.constant 1 : i32
    %min3A_42 = vector.broadcast %min3A : i32 to vector<16xi32>
    %min3A_43 = arith.minsi %get3A_41, %min3A_42 : vector<16xi32>
    %convert_element_type3A = arith.sitofp %min3A_43 : vector<16xi32> to vector<16xf32>
    %swap3A = arith.constant 0 : i32
    %swap3A_44 = arith.index_cast %swap3A : i32 to index
    %swap3A_45 = arith.constant 0 : index
    %swap3A_46 = tpu.vector_load %arg7[%swap3A_44, %swap3A_45] {strides = array<i32>} : memref<200x128xf32, #tpu.memory_space<vmem>>, vector<1x16xf32>,
    %swap3A_47 = vector.shape_cast %swap3A_46 : vector<1x16xf32> to vector<16xf32>
    %swap3A_48 = vector.shape_cast %convert_element_type3A : vector<16xf32> to vector<1x16xf32>
    tpu.vector_store %arg7[%swap3A_44, %swap3A_45], %swap3A_48 {strides = array<i32>} : memref<200x128xf32, #tpu.memory_space<vmem>>, vector<1x16xf32>,
    %get3A_49 = arith.constant 0 : i32
    %get3A_50 = arith.index_cast %get3A_49 : i32 to index
    %get3A_51 = arith.constant 16 : index
    %get3A_52 = tpu.vector_load %arg6[%get3A_50, %get3A_51] {strides = array<i32>} : memref<200x128xi32, #tpu.memory_space<vmem>>, vector<1x16xi32>,
    %get3A_53 = vector.shape_cast %get3A_52 : vector<1x16xi32> to vector<16xi32>
    %min3A_54 = arith.constant 1 : i32
    %min3A_55 = vector.broadcast %min3A_54 : i32 to vector<16xi32>
    %min3A_56 = arith.minsi %get3A_53, %min3A_55 : vector<16xi32>
    %convert_element_type3A_57 = arith.sitofp %min3A_56 : vector<16xi32> to vector<16xf32>
    %swap3A_58 = arith.constant 0 : i32
    %swap3A_59 = arith.index_cast %swap3A_58 : i32 to index
    %swap3A_60 = arith.constant 16 : index
    %swap3A_61 = tpu.vector_load %arg7[%swap3A_59, %swap3A_60] {strides = array<i32>} : memref<200x128xf32, #tpu.memory_space<vmem>>, vector<1x16xf32>,
    %swap3A_62 = vector.shape_cast %swap3A_61 : vector<1x16xf32> to vector<16xf32>
    %swap3A_63 = vector.shape_cast %convert_element_type3A_57 : vector<16xf32> to vector<1x16xf32>
    tpu.vector_store %arg7[%swap3A_59, %swap3A_60], %swap3A_63 {strides = array<i32>} : memref<200x128xf32, #tpu.memory_space<vmem>>, vector<1x16xf32>,
    %get3A_64 = arith.constant 0 : i32
    %get3A_65 = arith.index_cast %get3A_64 : i32 to index
    %get3A_66 = arith.constant 32 : index
    %get3A_67 = tpu.vector_load %arg6[%get3A_65, %get3A_66] {strides = array<i32>} : memref<200x128xi32, #tpu.memory_space<vmem>>, vector<1x16xi32>,
    %get3A_68 = vector.shape_cast %get3A_67 : vector<1x16xi32> to vector<16xi32>
    %min3A_69 = arith.constant 1 : i32
    %min3A_70 = vector.broadcast %min3A_69 : i32 to vector<16xi32>
    %min3A_71 = arith.minsi %get3A_68, %min3A_70 : vector<16xi32>
    %convert_element_type3A_72 = arith.sitofp %min3A_71 : vector<16xi32> to vector<16xf32>
    %swap3A_73 = arith.constant 0 : i32
    %swap3A_74 = arith.index_cast %swap3A_73 : i32 to index
    %swap3A_75 = arith.constant 32 : index
    %swap3A_76 = tpu.vector_load %arg7[%swap3A_74, %swap3A_75] {strides = array<i32>} : memref<200x128xf32, #tpu.memory_space<vmem>>, vector<1x16xf32>,
    %swap3A_77 = vector.shape_cast %swap3A_76 : vector<1x16xf32> to vector<16xf32>
    %swap3A_78 = vector.shape_cast %convert_element_type3A_72 : vector<16xf32> to vector<1x16xf32>
    tpu.vector_store %arg7[%swap3A_74, %swap3A_75], %swap3A_78 {strides = array<i32>} : memref<200x128xf32, #tpu.memory_space<vmem>>, vector<1x16xf32>,
    %get3A_79 = arith.constant 0 : i32
    %get3A_80 = arith.index_cast %get3A_79 : i32 to index
    %get3A_81 = arith.constant 48 : index
    %get3A_82 = tpu.vector_load %arg6[%get3A_80, %get3A_81] {strides = array<i32>} : memref<200x128xi32, #tpu.memory_space<vmem>>, vector<1x16xi32>,
    %get3A_83 = vector.shape_cast %get3A_82 : vector<1x16xi32> to vector<16xi32>
    %min3A_84 = arith.constant 1 : i32
    %min3A_85 = vector.broadcast %min3A_84 : i32 to vector<16xi32>
    %min3A_86 = arith.minsi %get3A_83, %min3A_85 : vector<16xi32>
    %convert_element_type3A_87 = arith.sitofp %min3A_86 : vector<16xi32> to vector<16xf32>
    %swap3A_88 = arith.constant 0 : i32
    %swap3A_89 = arith.index_cast %swap3A_88 : i32 to index
    %swap3A_90 = arith.constant 48 : index
    %swap3A_91 = tpu.vector_load %arg7[%swap3A_89, %swap3A_90] {strides = array<i32>} : memref<200x128xf32, #tpu.memory_space<vmem>>, vector<1x16xf32>,
    %swap3A_92 = vector.shape_cast %swap3A_91 : vector<1x16xf32> to vector<16xf32>
    %swap3A_93 = vector.shape_cast %convert_element_type3A_87 : vector<16xf32> to vector<1x16xf32>
    tpu.vector_store %arg7[%swap3A_89, %swap3A_90], %swap3A_93 {strides = array<i32>} : memref<200x128xf32, #tpu.memory_space<vmem>>, vector<1x16xf32>,
    %get3A_94 = arith.constant 0 : i32
    %get3A_95 = arith.index_cast %get3A_94 : i32 to index
    %get3A_96 = arith.constant 64 : index
    %get3A_97 = tpu.vector_load %arg6[%get3A_95, %get3A_96] {strides = array<i32>} : memref<200x128xi32, #tpu.memory_space<vmem>>, vector<1x16xi32>,
    %get3A_98 = vector.shape_cast %get3A_97 : vector<1x16xi32> to vector<16xi32>
    %min3A_99 = arith.constant 1 : i32
    %min3A_100 = vector.broadcast %min3A_99 : i32 to vector<16xi32>
    %min3A_101 = arith.minsi %get3A_98, %min3A_100 : vector<16xi32>
    %convert_element_type3A_102 = arith.sitofp %min3A_101 : vector<16xi32> to vector<16xf32>
    %swap3A_103 = arith.constant 0 : i32
    %swap3A_104 = arith.index_cast %swap3A_103 : i32 to index
    %swap3A_105 = arith.constant 64 : index
    %swap3A_106 = tpu.vector_load %arg7[%swap3A_104, %swap3A_105] {strides = array<i32>} : memref<200x128xf32, #tpu.memory_space<vmem>>, vector<1x16xf32>,
    %swap3A_107 = vector.shape_cast %swap3A_106 : vector<1x16xf32> to vector<16xf32>
    %swap3A_108 = vector.shape_cast %convert_element_type3A_102 : vector<16xf32> to vector<1x16xf32>
    tpu.vector_store %arg7[%swap3A_104, %swap3A_105], %swap3A_108 {strides = array<i32>} : memref<200x128xf32, #tpu.memory_space<vmem>>, vector<1x16xf32>,
    %get3A_109 = arith.constant 0 : i32
    %get3A_110 = arith.index_cast %get3A_109 : i32 to index
    %get3A_111 = arith.constant 80 : index
    %get3A_112 = tpu.vector_load %arg6[%get3A_110, %get3A_111] {strides = array<i32>} : memref<200x128xi32, #tpu.memory_space<vmem>>, vector<1x16xi32>,
    %get3A_113 = vector.shape_cast %get3A_112 : vector<1x16xi32> to vector<16xi32>
    %min3A_114 = arith.constant 1 : i32
    %min3A_115 = vector.broadcast %min3A_114 : i32 to vector<16xi32>
    %min3A_116 = arith.minsi %get3A_113, %min3A_115 : vector<16xi32>
    %convert_element_type3A_117 = arith.sitofp %min3A_116 : vector<16xi32> to vector<16xf32>
    %swap3A_118 = arith.constant 0 : i32
    %swap3A_119 = arith.index_cast %swap3A_118 : i32 to index
    %swap3A_120 = arith.constant 80 : index
    %swap3A_121 = tpu.vector_load %arg7[%swap3A_119, %swap3A_120] {strides = array<i32>} : memref<200x128xf32, #tpu.memory_space<vmem>>, vector<1x16xf32>,
    %swap3A_122 = vector.shape_cast %swap3A_121 : vector<1x16xf32> to vector<16xf32>
    %swap3A_123 = vector.shape_cast %convert_element_type3A_117 : vector<16xf32> to vector<1x16xf32>
    tpu.vector_store %arg7[%swap3A_119, %swap3A_120], %swap3A_123 {strides = array<i32>} : memref<200x128xf32, #tpu.memory_space<vmem>>, vector<1x16xf32>,
    %get3A_124 = arith.constant 0 : i32
    %get3A_125 = arith.index_cast %get3A_124 : i32 to index
    %get3A_126 = arith.constant 96 : index
    %get3A_127 = tpu.vector_load %arg6[%get3A_125, %get3A_126] {strides = array<i32>} : memref<200x128xi32, #tpu.memory_space<vmem>>, vector<1x16xi32>,
    %get3A_128 = vector.shape_cast %get3A_127 : vector<1x16xi32> to vector<16xi32>
    %min3A_129 = arith.constant 1 : i32
    %min3A_130 = vector.broadcast %min3A_129 : i32 to vector<16xi32>
    %min3A_131 = arith.minsi %get3A_128, %min3A_130 : vector<16xi32>
    %convert_element_type3A_132 = arith.sitofp %min3A_131 : vector<16xi32> to vector<16xf32>
    %swap3A_133 = arith.constant 0 : i32
    %swap3A_134 = arith.index_cast %swap3A_133 : i32 to index
    %swap3A_135 = arith.constant 96 : index
    %swap3A_136 = tpu.vector_load %arg7[%swap3A_134, %swap3A_135] {strides = array<i32>} : memref<200x128xf32, #tpu.memory_space<vmem>>, vector<1x16xf32>,
    %swap3A_137 = vector.shape_cast %swap3A_136 : vector<1x16xf32> to vector<16xf32>
    %swap3A_138 = vector.shape_cast %convert_element_type3A_132 : vector<16xf32> to vector<1x16xf32>
    tpu.vector_store %arg7[%swap3A_134, %swap3A_135], %swap3A_138 {strides = array<i32>} : memref<200x128xf32, #tpu.memory_space<vmem>>, vector<1x16xf32>,
    %get3A_139 = arith.constant 0 : i32
    %get3A_140 = arith.index_cast %get3A_139 : i32 to index
    %get3A_141 = arith.constant 112 : index
    %get3A_142 = tpu.vector_load %arg6[%get3A_140, %get3A_141] {strides = array<i32>} : memref<200x128xi32, #tpu.memory_space<vmem>>, vector<1x16xi32>,
    %get3A_143 = vector.shape_cast %get3A_142 : vector<1x16xi32> to vector<16xi32>
    %min3A_144 = arith.constant 1 : i32
    %min3A_145 = vector.broadcast %min3A_144 : i32 to vector<16xi32>
    %min3A_146 = arith.minsi %get3A_143, %min3A_145 : vector<16xi32>
    %convert_element_type3A_147 = arith.sitofp %min3A_146 : vector<16xi32> to vector<16xf32>
    %swap3A_148 = arith.constant 0 : i32
    %swap3A_149 = arith.index_cast %swap3A_148 : i32 to index
    %swap3A_150 = arith.constant 112 : index
    %swap3A_151 = tpu.vector_load %arg7[%swap3A_149, %swap3A_150] {strides = array<i32>} : memref<200x128xf32, #tpu.memory_space<vmem>>, vector<1x16xf32>,
    %swap3A_152 = vector.shape_cast %swap3A_151 : vector<1x16xf32> to vector<16xf32>
    %swap3A_153 = vector.shape_cast %convert_element_type3A_147 : vector<16xf32> to vector<1x16xf32>
    tpu.vector_store %arg7[%swap3A_149, %swap3A_150], %swap3A_153 {strides = array<i32>} : memref<200x128xf32, #tpu.memory_space<vmem>>, vector<1x16xf32>,
    %dma_wait3A = arith.constant 0 : i32
    %dma_wait3A_154 = arith.constant 0 : i32
    %dma_wait3A_155 = arith.constant 0 : i32
    %dma_wait3A_156 = arith.constant 0 : i32
    %dma_wait3A_157 = tpu.memref_slice %arg8[%dma_wait3A_154, %dma_wait3A_155, %dma_wait3A_156] : memref<4x128x128xf32, #tpu.memory_space<vmem>> -> memref<1x128x128xf32, #tpu.memory_space<vmem>>
    %dma_wait3A_158 = tpu.memref_squeeze %dma_wait3A_157 : memref<1x128x128xf32, #tpu.memory_space<vmem>> -> memref<128x128xf32, #tpu.memory_space<vmem>>
    %dma_wait3A_159 = arith.constant 0 : i32
    %dma_wait3A_160 = tpu.memref_slice %arg6[%dma_wait3A, %dma_wait3A_159] : memref<200x128xi32, #tpu.memory_space<vmem>> -> memref<1x128xi32, #tpu.memory_space<vmem>>
    %dma_wait3A_161 = tpu.memref_squeeze %dma_wait3A_160 : memref<1x128xi32, #tpu.memory_space<vmem>> -> memref<128xi32, #tpu.memory_space<vmem>>
    %dma_wait3A_162 = arith.constant 0 : i32
    %dma_wait3A_163 = arith.constant 0 : i32
    %dma_wait3A_164 = tpu.memref_slice %arg2[%dma_wait3A_162, %dma_wait3A_163] : memref<1000000x128xf32, #tpu.memory_space<hbm>> -> memref<1000000x128xf32, #tpu.memory_space<hbm>>
    tpu.wait_indirect_dma semaphore(%arg9 : memref<!tpu.dma_semaphore, #tpu.memory_space<semaphore_mem>>) src(%dma_wait3A_164 : memref<1000000x128xf32, #tpu.memory_space<hbm>>) dst(%dma_wait3A_158 : memref<128x128xf32, #tpu.memory_space<vmem>>)
    %add3A_165 = arith.constant 0 : i32
    %add3A_166 = arith.addi %mul3A_2, %add3A_165 : i32
    %dma_start3A_167 = arith.constant 0 : i32
    %dma_start3A_168 = arith.constant 0 : i32
    %dma_start3A_169 = arith.constant 0 : i32
    %dma_start3A_170 = tpu.memref_slice %arg8[%dma_start3A_167, %dma_start3A_168, %dma_start3A_169] : memref<4x128x128xf32, #tpu.memory_space<vmem>> -> memref<1x128x64xf32, #tpu.memory_space<vmem>>
    %dma_start3A_171 = tpu.memref_squeeze %dma_start3A_170 : memref<1x128x64xf32, #tpu.memory_space<vmem>> -> memref<128x64xf32, #tpu.memory_space<vmem>>
    %dma_start3A_172 = arith.constant 0 : i32
    %dma_start3A_173 = tpu.memref_slice %arg4[%add3A_166, %dma_start3A_172] : memref<819200x128xf32, #tpu.memory_space<hbm>> -> memref<128x64xf32, #tpu.memory_space<hbm>>
    %dma_start3A_174 = arith.constant 0 : i32
    %dma_start3A_175 = tpu.memref_slice %arg4[%add3A_166, %dma_start3A_174] : memref<819200x128xf32, #tpu.memory_space<hbm>> -> memref<128x64xf32, #tpu.memory_space<hbm>>
    %dma_start3A_176 = arith.constant 0 : i32
    %dma_start3A_177 = arith.constant 0 : i32
    %dma_start3A_178 = tpu.memref_slice %arg8[%dma_start3A_167, %dma_start3A_176, %dma_start3A_177] : memref<4x128x128xf32, #tpu.memory_space<vmem>> -> memref<1x128x64xf32, #tpu.memory_space<vmem>>
    %dma_start3A_179 = tpu.memref_squeeze %dma_start3A_178 : memref<1x128x64xf32, #tpu.memory_space<vmem>> -> memref<128x64xf32, #tpu.memory_space<vmem>>
    tpu.enqueue_dma source(%dma_start3A_179 : memref<128x64xf32, #tpu.memory_space<vmem>>) target(%dma_start3A_175 : memref<128x64xf32, #tpu.memory_space<hbm>>) target_semaphore(%arg13 : memref<!tpu.dma_semaphore, #tpu.memory_space<semaphore_mem>>)
    %dma_start3A_180 = arith.constant 3 : i32
    %dma_start3A_181 = arith.constant 3 : i32
    %dma_start3A_182 = arith.constant 0 : i32
    %dma_start3A_183 = arith.constant 0 : i32
    %dma_start3A_184 = tpu.memref_slice %arg8[%dma_start3A_181, %dma_start3A_182, %dma_start3A_183] : memref<4x128x128xf32, #tpu.memory_space<vmem>> -> memref<1x128x128xf32, #tpu.memory_space<vmem>>
    %dma_start3A_185 = tpu.memref_squeeze %dma_start3A_184 : memref<1x128x128xf32, #tpu.memory_space<vmem>> -> memref<128x128xf32, #tpu.memory_space<vmem>>
    %dma_start3A_186 = arith.constant 0 : i32
    %dma_start3A_187 = tpu.memref_slice %arg6[%dma_start3A_180, %dma_start3A_186] : memref<200x128xi32, #tpu.memory_space<vmem>> -> memref<1x128xi32, #tpu.memory_space<vmem>>
    %dma_start3A_188 = tpu.memref_squeeze %dma_start3A_187 : memref<1x128xi32, #tpu.memory_space<vmem>> -> memref<128xi32, #tpu.memory_space<vmem>>
    %dma_start3A_189 = arith.constant 0 : i32
    %dma_start3A_190 = arith.constant 0 : i32
    %dma_start3A_191 = tpu.memref_slice %arg2[%dma_start3A_189, %dma_start3A_190] : memref<1000000x128xf32, #tpu.memory_space<hbm>> -> memref<1000000x128xf32, #tpu.memory_space<hbm>>
    tpu.enqueue_indirect_dma source(%dma_start3A_191 : memref<1000000x128xf32, #tpu.memory_space<hbm>>) target(%dma_start3A_185 : memref<128x128xf32, #tpu.memory_space<vmem>>) offsets(%dma_start3A_188 : memref<128xi32, #tpu.memory_space<vmem>>) semaphore(%arg12 : memref<!tpu.dma_semaphore, #tpu.memory_space<semaphore_mem>>)
    %get3A_192 = arith.constant 1 : i32
    %get3A_193 = arith.index_cast %get3A_192 : i32 to index
    %get3A_194 = arith.constant 0 : index
    %get3A_195 = tpu.vector_load %arg6[%get3A_193, %get3A_194] {strides = array<i32>} : memref<200x128xi32, #tpu.memory_space<vmem>>, vector<1x16xi32>,
    %get3A_196 = vector.shape_cast %get3A_195 : vector<1x16xi32> to vector<16xi32>
    %min3A_197 = arith.constant 1 : i32
    %min3A_198 = vector.broadcast %min3A_197 : i32 to vector<16xi32>
    %min3A_199 = arith.minsi %get3A_196, %min3A_198 : vector<16xi32>
    %convert_element_type3A_200 = arith.sitofp %min3A_199 : vector<16xi32> to vector<16xf32>
    %swap3A_201 = arith.constant 1 : i32
    %swap3A_202 = arith.index_cast %swap3A_201 : i32 to index
    %swap3A_203 = arith.constant 0 : index
    %swap3A_204 = tpu.vector_load %arg7[%swap3A_202, %swap3A_203] {strides = array<i32>} : memref<200x128xf32, #tpu.memory_space<vmem>>, vector<1x16xf32>,
    %swap3A_205 = vector.shape_cast %swap3A_204 : vector<1x16xf32> to vector<16xf32>
    %swap3A_206 = vector.shape_cast %convert_element_type3A_200 : vector<16xf32> to vector<1x16xf32>
    tpu.vector_store %arg7[%swap3A_202, %swap3A_203], %swap3A_206 {strides = array<i32>} : memref<200x128xf32, #tpu.memory_space<vmem>>, vector<1x16xf32>,
    %get3A_207 = arith.constant 1 : i32
    %get3A_208 = arith.index_cast %get3A_207 : i32 to index
    %get3A_209 = arith.constant 16 : index
    %get3A_210 = tpu.vector_load %arg6[%get3A_208, %get3A_209] {strides = array<i32>} : memref<200x128xi32, #tpu.memory_space<vmem>>, vector<1x16xi32>,
    %get3A_211 = vector.shape_cast %get3A_210 : vector<1x16xi32> to vector<16xi32>
    %min3A_212 = arith.constant 1 : i32
    %min3A_213 = vector.broadcast %min3A_212 : i32 to vector<16xi32>
    %min3A_214 = arith.minsi %get3A_211, %min3A_213 : vector<16xi32>
    %convert_element_type3A_215 = arith.sitofp %min3A_214 : vector<16xi32> to vector<16xf32>
    %swap3A_216 = arith.constant 1 : i32
    %swap3A_217 = arith.index_cast %swap3A_216 : i32 to index
    %swap3A_218 = arith.constant 16 : index
    %swap3A_219 = tpu.vector_load %arg7[%swap3A_217, %swap3A_218] {strides = array<i32>} : memref<200x128xf32, #tpu.memory_space<vmem>>, vector<1x16xf32>,
    %swap3A_220 = vector.shape_cast %swap3A_219 : vector<1x16xf32> to vector<16xf32>
    %swap3A_221 = vector.shape_cast %convert_element_type3A_215 : vector<16xf32> to vector<1x16xf32>
    tpu.vector_store %arg7[%swap3A_217, %swap3A_218], %swap3A_221 {strides = array<i32>} : memref<200x128xf32, #tpu.memory_space<vmem>>, vector<1x16xf32>,
    %get3A_222 = arith.constant 1 : i32
    %get3A_223 = arith.index_cast %get3A_222 : i32 to index
    %get3A_224 = arith.constant 32 : index
    %get3A_225 = tpu.vector_load %arg6[%get3A_223, %get3A_224] {strides = array<i32>} : memref<200x128xi32, #tpu.memory_space<vmem>>, vector<1x16xi32>,
    %get3A_226 = vector.shape_cast %get3A_225 : vector<1x16xi32> to vector<16xi32>
    %min3A_227 = arith.constant 1 : i32
    %min3A_228 = vector.broadcast %min3A_227 : i32 to vector<16xi32>
    %min3A_229 = arith.minsi %get3A_226, %min3A_228 : vector<16xi32>
    %convert_element_type3A_230 = arith.sitofp %min3A_229 : vector<16xi32> to vector<16xf32>
    %swap3A_231 = arith.constant 1 : i32
    %swap3A_232 = arith.index_cast %swap3A_231 : i32 to index
    %swap3A_233 = arith.constant 32 : index
    %swap3A_234 = tpu.vector_load %arg7[%swap3A_232, %swap3A_233] {strides = array<i32>} : memref<200x128xf32, #tpu.memory_space<vmem>>, vector<1x16xf32>,
    %swap3A_235 = vector.shape_cast %swap3A_234 : vector<1x16xf32> to vector<16xf32>
    %swap3A_236 = vector.shape_cast %convert_element_type3A_230 : vector<16xf32> to vector<1x16xf32>
    tpu.vector_store %arg7[%swap3A_232, %swap3A_233], %swap3A_236 {strides = array<i32>} : memref<200x128xf32, #tpu.memory_space<vmem>>, vector<1x16xf32>,
    %get3A_237 = arith.constant 1 : i32
    %get3A_238 = arith.index_cast %get3A_237 : i32 to index
    %get3A_239 = arith.constant 48 : index
    %get3A_240 = tpu.vector_load %arg6[%get3A_238, %get3A_239] {strides = array<i32>} : memref<200x128xi32, #tpu.memory_space<vmem>>, vector<1x16xi32>,
    %get3A_241 = vector.shape_cast %get3A_240 : vector<1x16xi32> to vector<16xi32>
    %min3A_242 = arith.constant 1 : i32
    %min3A_243 = vector.broadcast %min3A_242 : i32 to vector<16xi32>
    %min3A_244 = arith.minsi %get3A_241, %min3A_243 : vector<16xi32>
    %convert_element_type3A_245 = arith.sitofp %min3A_244 : vector<16xi32> to vector<16xf32>
    %swap3A_246 = arith.constant 1 : i32
    %swap3A_247 = arith.index_cast %swap3A_246 : i32 to index
    %swap3A_248 = arith.constant 48 : index
    %swap3A_249 = tpu.vector_load %arg7[%swap3A_247, %swap3A_248] {strides = array<i32>} : memref<200x128xf32, #tpu.memory_space<vmem>>, vector<1x16xf32>,
    %swap3A_250 = vector.shape_cast %swap3A_249 : vector<1x16xf32> to vector<16xf32>
    %swap3A_251 = vector.shape_cast %convert_element_type3A_245 : vector<16xf32> to vector<1x16xf32>
    tpu.vector_store %arg7[%swap3A_247, %swap3A_248], %swap3A_251 {strides = array<i32>} : memref<200x128xf32, #tpu.memory_space<vmem>>, vector<1x16xf32>,
    %get3A_252 = arith.constant 1 : i32
    %get3A_253 = arith.index_cast %get3A_252 : i32 to index
    %get3A_254 = arith.constant 64 : index
    %get3A_255 = tpu.vector_load %arg6[%get3A_253, %get3A_254] {strides = array<i32>} : memref<200x128xi32, #tpu.memory_space<vmem>>, vector<1x16xi32>,
    %get3A_256 = vector.shape_cast %get3A_255 : vector<1x16xi32> to vector<16xi32>
    %min3A_257 = arith.constant 1 : i32
    %min3A_258 = vector.broadcast %min3A_257 : i32 to vector<16xi32>
    %min3A_259 = arith.minsi %get3A_256, %min3A_258 : vector<16xi32>
    %convert_element_type3A_260 = arith.sitofp %min3A_259 : vector<16xi32> to vector<16xf32>
    %swap3A_261 = arith.constant 1 : i32
    %swap3A_262 = arith.index_cast %swap3A_261 : i32 to index
    %swap3A_263 = arith.constant 64 : index
    %swap3A_264 = tpu.vector_load %arg7[%swap3A_262, %swap3A_263] {strides = array<i32>} : memref<200x128xf32, #tpu.memory_space<vmem>>, vector<1x16xf32>,
    %swap3A_265 = vector.shape_cast %swap3A_264 : vector<1x16xf32> to vector<16xf32>
    %swap3A_266 = vector.shape_cast %convert_element_type3A_260 : vector<16xf32> to vector<1x16xf32>
    tpu.vector_store %arg7[%swap3A_262, %swap3A_263], %swap3A_266 {strides = array<i32>} : memref<200x128xf32, #tpu.memory_space<vmem>>, vector<1x16xf32>,
    %get3A_267 = arith.constant 1 : i32
    %get3A_268 = arith.index_cast %get3A_267 : i32 to index
    %get3A_269 = arith.constant 80 : index
    %get3A_270 = tpu.vector_load %arg6[%get3A_268, %get3A_269] {strides = array<i32>} : memref<200x128xi32, #tpu.memory_space<vmem>>, vector<1x16xi32>,
    %get3A_271 = vector.shape_cast %get3A_270 : vector<1x16xi32> to vector<16xi32>
    %min3A_272 = arith.constant 1 : i32
    %min3A_273 = vector.broadcast %min3A_272 : i32 to vector<16xi32>
    %min3A_274 = arith.minsi %get3A_271, %min3A_273 : vector<16xi32>
    %convert_element_type3A_275 = arith.sitofp %min3A_274 : vector<16xi32> to vector<16xf32>
    %swap3A_276 = arith.constant 1 : i32
    %swap3A_277 = arith.index_cast %swap3A_276 : i32 to index
    %swap3A_278 = arith.constant 80 : index
    %swap3A_279 = tpu.vector_load %arg7[%swap3A_277, %swap3A_278] {strides = array<i32>} : memref<200x128xf32, #tpu.memory_space<vmem>>, vector<1x16xf32>,
    %swap3A_280 = vector.shape_cast %swap3A_279 : vector<1x16xf32> to vector<16xf32>
    %swap3A_281 = vector.shape_cast %convert_element_type3A_275 : vector<16xf32> to vector<1x16xf32>
    tpu.vector_store %arg7[%swap3A_277, %swap3A_278], %swap3A_281 {strides = array<i32>} : memref<200x128xf32, #tpu.memory_space<vmem>>, vector<1x16xf32>,
    %get3A_282 = arith.constant 1 : i32
    %get3A_283 = arith.index_cast %get3A_282 : i32 to index
    %get3A_284 = arith.constant 96 : index
    %get3A_285 = tpu.vector_load %arg6[%get3A_283, %get3A_284] {strides = array<i32>} : memref<200x128xi32, #tpu.memory_space<vmem>>, vector<1x16xi32>,
    %get3A_286 = vector.shape_cast %get3A_285 : vector<1x16xi32> to vector<16xi32>
    %min3A_287 = arith.constant 1 : i32
    %min3A_288 = vector.broadcast %min3A_287 : i32 to vector<16xi32>
    %min3A_289 = arith.minsi %get3A_286, %min3A_288 : vector<16xi32>
    %convert_element_type3A_290 = arith.sitofp %min3A_289 : vector<16xi32> to vector<16xf32>
    %swap3A_291 = arith.constant 1 : i32
    %swap3A_292 = arith.index_cast %swap3A_291 : i32 to index
    %swap3A_293 = arith.constant 96 : index
    %swap3A_294 = tpu.vector_load %arg7[%swap3A_292, %swap3A_293] {strides = array<i32>} : memref<200x128xf32, #tpu.memory_space<vmem>>, vector<1x16xf32>,
    %swap3A_295 = vector.shape_cast %swap3A_294 : vector<1x16xf32> to vector<16xf32>
    %swap3A_296 = vector.shape_cast %convert_element_type3A_290 : vector<16xf32> to vector<1x16xf32>
    tpu.vector_store %arg7[%swap3A_292, %swap3A_293], %swap3A_296 {strides = array<i32>} : memref<200x128xf32, #tpu.memory_space<vmem>>, vector<1x16xf32>,
    %get3A_297 = arith.constant 1 : i32
    %get3A_298 = arith.index_cast %get3A_297 : i32 to index
    %get3A_299 = arith.constant 112 : index
    %get3A_300 = tpu.vector_load %arg6[%get3A_298, %get3A_299] {strides = array<i32>} : memref<200x128xi32, #tpu.memory_space<vmem>>, vector<1x16xi32>,
    %get3A_301 = vector.shape_cast %get3A_300 : vector<1x16xi32> to vector<16xi32>
    %min3A_302 = arith.constant 1 : i32
    %min3A_303 = vector.broadcast %min3A_302 : i32 to vector<16xi32>
    %min3A_304 = arith.minsi %get3A_301, %min3A_303 : vector<16xi32>
    %convert_element_type3A_305 = arith.sitofp %min3A_304 : vector<16xi32> to vector<16xf32>
    %swap3A_306 = arith.constant 1 : i32
    %swap3A_307 = arith.index_cast %swap3A_306 : i32 to index
    %swap3A_308 = arith.constant 112 : index
    %swap3A_309 = tpu.vector_load %arg7[%swap3A_307, %swap3A_308] {strides = array<i32>} : memref<200x128xf32, #tpu.memory_space<vmem>>, vector<1x16xf32>,
    %swap3A_310 = vector.shape_cast %swap3A_309 : vector<1x16xf32> to vector<16xf32>
    %swap3A_311 = vector.shape_cast %convert_element_type3A_305 : vector<16xf32> to vector<1x16xf32>
    tpu.vector_store %arg7[%swap3A_307, %swap3A_308], %swap3A_311 {strides = array<i32>} : memref<200x128xf32, #tpu.memory_space<vmem>>, vector<1x16xf32>,
    %dma_wait3A_312 = arith.constant 1 : i32
    %dma_wait3A_313 = arith.constant 1 : i32
    %dma_wait3A_314 = arith.constant 0 : i32
    %dma_wait3A_315 = arith.constant 0 : i32
    %dma_wait3A_316 = tpu.memref_slice %arg8[%dma_wait3A_313, %dma_wait3A_314, %dma_wait3A_315] : memref<4x128x128xf32, #tpu.memory_space<vmem>> -> memref<1x128x128xf32, #tpu.memory_space<vmem>>
    %dma_wait3A_317 = tpu.memref_squeeze %dma_wait3A_316 : memref<1x128x128xf32, #tpu.memory_space<vmem>> -> memref<128x128xf32, #tpu.memory_space<vmem>>
    %dma_wait3A_318 = arith.constant 0 : i32
    %dma_wait3A_319 = tpu.memref_slice %arg6[%dma_wait3A_312, %dma_wait3A_318] : memref<200x128xi32, #tpu.memory_space<vmem>> -> memref<1x128xi32, #tpu.memory_space<vmem>>
    %dma_wait3A_320 = tpu.memref_squeeze %dma_wait3A_319 : memref<1x128xi32, #tpu.memory_space<vmem>> -> memref<128xi32, #tpu.memory_space<vmem>>
    %dma_wait3A_321 = arith.constant 0 : i32
    %dma_wait3A_322 = arith.constant 0 : i32
    %dma_wait3A_323 = tpu.memref_slice %arg2[%dma_wait3A_321, %dma_wait3A_322] : memref<1000000x128xf32, #tpu.memory_space<hbm>> -> memref<1000000x128xf32, #tpu.memory_space<hbm>>
    tpu.wait_indirect_dma semaphore(%arg10 : memref<!tpu.dma_semaphore, #tpu.memory_space<semaphore_mem>>) src(%dma_wait3A_323 : memref<1000000x128xf32, #tpu.memory_space<hbm>>) dst(%dma_wait3A_317 : memref<128x128xf32, #tpu.memory_space<vmem>>)
    %add3A_324 = arith.constant 128 : i32
    %add3A_325 = arith.addi %mul3A_2, %add3A_324 : i32
    %dma_start3A_326 = arith.constant 1 : i32
    %dma_start3A_327 = arith.constant 0 : i32
    %dma_start3A_328 = arith.constant 0 : i32
    %dma_start3A_329 = tpu.memref_slice %arg8[%dma_start3A_326, %dma_start3A_327, %dma_start3A_328] : memref<4x128x128xf32, #tpu.memory_space<vmem>> -> memref<1x128x64xf32, #tpu.memory_space<vmem>>
    %dma_start3A_330 = tpu.memref_squeeze %dma_start3A_329 : memref<1x128x64xf32, #tpu.memory_space<vmem>> -> memref<128x64xf32, #tpu.memory_space<vmem>>
    %dma_start3A_331 = arith.constant 0 : i32
    %dma_start3A_332 = tpu.memref_slice %arg4[%add3A_325, %dma_start3A_331] : memref<819200x128xf32, #tpu.memory_space<hbm>> -> memref<128x64xf32, #tpu.memory_space<hbm>>
    %dma_start3A_333 = arith.constant 0 : i32
    %dma_start3A_334 = tpu.memref_slice %arg4[%add3A_325, %dma_start3A_333] : memref<819200x128xf32, #tpu.memory_space<hbm>> -> memref<128x64xf32, #tpu.memory_space<hbm>>
    %dma_start3A_335 = arith.constant 0 : i32
    %dma_start3A_336 = arith.constant 0 : i32
    %dma_start3A_337 = tpu.memref_slice %arg8[%dma_start3A_326, %dma_start3A_335, %dma_start3A_336] : memref<4x128x128xf32, #tpu.memory_space<vmem>> -> memref<1x128x64xf32, #tpu.memory_space<vmem>>
    %dma_start3A_338 = tpu.memref_squeeze %dma_start3A_337 : memref<1x128x64xf32, #tpu.memory_space<vmem>> -> memref<128x64xf32, #tpu.memory_space<vmem>>
    tpu.enqueue_dma source(%dma_start3A_338 : memref<128x64xf32, #tpu.memory_space<vmem>>) target(%dma_start3A_334 : memref<128x64xf32, #tpu.memory_space<hbm>>) target_semaphore(%arg14 : memref<!tpu.dma_semaphore, #tpu.memory_space<semaphore_mem>>)
    %scan3A = arith.constant 0 : i32
    %scan3A_339 = arith.constant 49 : i32
    %scan3A_340 = arith.addi %scan3A, %scan3A_339 : i32
    %scan3A_341 = arith.constant 1 : i32
    scf.for %scan3A_713 = %scan3A to %scan3A_340 step %scan3A_341  : i32 {
      %mul3A_714 = arith.constant 4 : i32
      %mul3A_715 = arith.muli %scan3A_713, %mul3A_714 : i32
      %add3A_716 = arith.constant 2 : i32
      %add3A_717 = arith.addi %add3A_716, %mul3A_715 : i32
      %add3A_718 = arith.constant 0 : i32
      %add3A_719 = arith.addi %add3A_717, %add3A_718 : i32
      %sub3A = arith.constant 2 : i32
      %sub3A_720 = arith.subi %add3A_719, %sub3A : i32
      %mul3A_721 = arith.constant 128 : i32
      %mul3A_722 = arith.muli %sub3A_720, %mul3A_721 : i32
      %add3A_723 = arith.addi %mul3A_2, %mul3A_722 : i32
      %dma_wait3A_724 = arith.constant 0 : i32
      %dma_wait3A_725 = arith.constant 0 : i32
      %dma_wait3A_726 = arith.constant 0 : i32
      %dma_wait3A_727 = tpu.memref_slice %arg8[%dma_wait3A_724, %dma_wait3A_725, %dma_wait3A_726] : memref<4x128x128xf32, #tpu.memory_space<vmem>> -> memref<1x128x64xf32, #tpu.memory_space<vmem>>
      %dma_wait3A_728 = tpu.memref_squeeze %dma_wait3A_727 : memref<1x128x64xf32, #tpu.memory_space<vmem>> -> memref<128x64xf32, #tpu.memory_space<vmem>>
      %dma_wait3A_729 = arith.constant 0 : i32
      %dma_wait3A_730 = tpu.memref_slice %arg4[%add3A_723, %dma_wait3A_729] : memref<819200x128xf32, #tpu.memory_space<hbm>> -> memref<128x64xf32, #tpu.memory_space<hbm>>
      %dma_wait3A_731 = arith.constant 0 : i32
      %dma_wait3A_732 = tpu.memref_slice %arg4[%add3A_723, %dma_wait3A_731] : memref<819200x128xf32, #tpu.memory_space<hbm>> -> memref<128x64xf32, #tpu.memory_space<hbm>>
      %dma_wait3A_733 = arith.constant 0 : i32
      %dma_wait3A_734 = arith.constant 0 : i32
      %dma_wait3A_735 = tpu.memref_slice %arg8[%dma_wait3A_724, %dma_wait3A_733, %dma_wait3A_734] : memref<4x128x128xf32, #tpu.memory_space<vmem>> -> memref<1x128x64xf32, #tpu.memory_space<vmem>>
      %dma_wait3A_736 = tpu.memref_squeeze %dma_wait3A_735 : memref<1x128x64xf32, #tpu.memory_space<vmem>> -> memref<128x64xf32, #tpu.memory_space<vmem>>
      tpu.wait_dma2 semaphore(%arg13 : memref<!tpu.dma_semaphore, #tpu.memory_space<semaphore_mem>>) src(%dma_wait3A_736 : memref<128x64xf32, #tpu.memory_space<vmem>>) dst(%dma_wait3A_732 : memref<128x64xf32, #tpu.memory_space<hbm>>)
      %add3A_737 = arith.constant 2 : i32
      %add3A_738 = arith.addi %add3A_719, %add3A_737 : i32
      %dma_start3A_739 = arith.constant 0 : i32
      %dma_start3A_740 = arith.constant 0 : i32
      %dma_start3A_741 = arith.constant 0 : i32
      %dma_start3A_742 = tpu.memref_slice %arg8[%dma_start3A_739, %dma_start3A_740, %dma_start3A_741] : memref<4x128x128xf32, #tpu.memory_space<vmem>> -> memref<1x128x128xf32, #tpu.memory_space<vmem>>
      %dma_start3A_743 = tpu.memref_squeeze %dma_start3A_742 : memref<1x128x128xf32, #tpu.memory_space<vmem>> -> memref<128x128xf32, #tpu.memory_space<vmem>>
      %dma_start3A_744 = arith.constant 0 : i32
      %dma_start3A_745 = tpu.memref_slice %arg6[%add3A_738, %dma_start3A_744] : memref<200x128xi32, #tpu.memory_space<vmem>> -> memref<1x128xi32, #tpu.memory_space<vmem>>
      %dma_start3A_746 = tpu.memref_squeeze %dma_start3A_745 : memref<1x128xi32, #tpu.memory_space<vmem>> -> memref<128xi32, #tpu.memory_space<vmem>>
      %dma_start3A_747 = arith.constant 0 : i32
      %dma_start3A_748 = arith.constant 0 : i32
      %dma_start3A_749 = tpu.memref_slice %arg2[%dma_start3A_747, %dma_start3A_748] : memref<1000000x128xf32, #tpu.memory_space<hbm>> -> memref<1000000x128xf32, #tpu.memory_space<hbm>>
      tpu.enqueue_indirect_dma source(%dma_start3A_749 : memref<1000000x128xf32, #tpu.memory_space<hbm>>) target(%dma_start3A_743 : memref<128x128xf32, #tpu.memory_space<vmem>>) offsets(%dma_start3A_746 : memref<128xi32, #tpu.memory_space<vmem>>) semaphore(%arg9 : memref<!tpu.dma_semaphore, #tpu.memory_space<semaphore_mem>>)
      %get3A_750 = arith.index_cast %add3A_719 : i32 to index
      %get3A_751 = arith.constant 0 : index
      %get3A_752 = tpu.vector_load %arg6[%get3A_750, %get3A_751] {strides = array<i32>} : memref<200x128xi32, #tpu.memory_space<vmem>>, vector<1x16xi32>,
      %get3A_753 = vector.shape_cast %get3A_752 : vector<1x16xi32> to vector<16xi32>
      %min3A_754 = arith.constant 1 : i32
      %min3A_755 = vector.broadcast %min3A_754 : i32 to vector<16xi32>
      %min3A_756 = arith.minsi %get3A_753, %min3A_755 : vector<16xi32>
      %convert_element_type3A_757 = arith.sitofp %min3A_756 : vector<16xi32> to vector<16xf32>
      %swap3A_758 = arith.index_cast %add3A_719 : i32 to index
      %swap3A_759 = arith.constant 0 : index
      %swap3A_760 = tpu.vector_load %arg7[%swap3A_758, %swap3A_759] {strides = array<i32>} : memref<200x128xf32, #tpu.memory_space<vmem>>, vector<1x16xf32>,
      %swap3A_761 = vector.shape_cast %swap3A_760 : vector<1x16xf32> to vector<16xf32>
      %swap3A_762 = vector.shape_cast %convert_element_type3A_757 : vector<16xf32> to vector<1x16xf32>
      tpu.vector_store %arg7[%swap3A_758, %swap3A_759], %swap3A_762 {strides = array<i32>} : memref<200x128xf32, #tpu.memory_space<vmem>>, vector<1x16xf32>,
      %get3A_763 = arith.index_cast %add3A_719 : i32 to index
      %get3A_764 = arith.constant 16 : index
      %get3A_765 = tpu.vector_load %arg6[%get3A_763, %get3A_764] {strides = array<i32>} : memref<200x128xi32, #tpu.memory_space<vmem>>, vector<1x16xi32>,
      %get3A_766 = vector.shape_cast %get3A_765 : vector<1x16xi32> to vector<16xi32>
      %min3A_767 = arith.constant 1 : i32
      %min3A_768 = vector.broadcast %min3A_767 : i32 to vector<16xi32>
      %min3A_769 = arith.minsi %get3A_766, %min3A_768 : vector<16xi32>
      %convert_element_type3A_770 = arith.sitofp %min3A_769 : vector<16xi32> to vector<16xf32>
      %swap3A_771 = arith.index_cast %add3A_719 : i32 to index
      %swap3A_772 = arith.constant 16 : index
      %swap3A_773 = tpu.vector_load %arg7[%swap3A_771, %swap3A_772] {strides = array<i32>} : memref<200x128xf32, #tpu.memory_space<vmem>>, vector<1x16xf32>,
      %swap3A_774 = vector.shape_cast %swap3A_773 : vector<1x16xf32> to vector<16xf32>
      %swap3A_775 = vector.shape_cast %convert_element_type3A_770 : vector<16xf32> to vector<1x16xf32>
      tpu.vector_store %arg7[%swap3A_771, %swap3A_772], %swap3A_775 {strides = array<i32>} : memref<200x128xf32, #tpu.memory_space<vmem>>, vector<1x16xf32>,
      %get3A_776 = arith.index_cast %add3A_719 : i32 to index
      %get3A_777 = arith.constant 32 : index
      %get3A_778 = tpu.vector_load %arg6[%get3A_776, %get3A_777] {strides = array<i32>} : memref<200x128xi32, #tpu.memory_space<vmem>>, vector<1x16xi32>,
      %get3A_779 = vector.shape_cast %get3A_778 : vector<1x16xi32> to vector<16xi32>
      %min3A_780 = arith.constant 1 : i32
      %min3A_781 = vector.broadcast %min3A_780 : i32 to vector<16xi32>
      %min3A_782 = arith.minsi %get3A_779, %min3A_781 : vector<16xi32>
      %convert_element_type3A_783 = arith.sitofp %min3A_782 : vector<16xi32> to vector<16xf32>
      %swap3A_784 = arith.index_cast %add3A_719 : i32 to index
      %swap3A_785 = arith.constant 32 : index
      %swap3A_786 = tpu.vector_load %arg7[%swap3A_784, %swap3A_785] {strides = array<i32>} : memref<200x128xf32, #tpu.memory_space<vmem>>, vector<1x16xf32>,
      %swap3A_787 = vector.shape_cast %swap3A_786 : vector<1x16xf32> to vector<16xf32>
      %swap3A_788 = vector.shape_cast %convert_element_type3A_783 : vector<16xf32> to vector<1x16xf32>
      tpu.vector_store %arg7[%swap3A_784, %swap3A_785], %swap3A_788 {strides = array<i32>} : memref<200x128xf32, #tpu.memory_space<vmem>>, vector<1x16xf32>,
      %get3A_789 = arith.index_cast %add3A_719 : i32 to index
      %get3A_790 = arith.constant 48 : index
      %get3A_791 = tpu.vector_load %arg6[%get3A_789, %get3A_790] {strides = array<i32>} : memref<200x128xi32, #tpu.memory_space<vmem>>, vector<1x16xi32>,
      %get3A_792 = vector.shape_cast %get3A_791 : vector<1x16xi32> to vector<16xi32>
      %min3A_793 = arith.constant 1 : i32
      %min3A_794 = vector.broadcast %min3A_793 : i32 to vector<16xi32>
      %min3A_795 = arith.minsi %get3A_792, %min3A_794 : vector<16xi32>
      %convert_element_type3A_796 = arith.sitofp %min3A_795 : vector<16xi32> to vector<16xf32>
      %swap3A_797 = arith.index_cast %add3A_719 : i32 to index
      %swap3A_798 = arith.constant 48 : index
      %swap3A_799 = tpu.vector_load %arg7[%swap3A_797, %swap3A_798] {strides = array<i32>} : memref<200x128xf32, #tpu.memory_space<vmem>>, vector<1x16xf32>,
      %swap3A_800 = vector.shape_cast %swap3A_799 : vector<1x16xf32> to vector<16xf32>
      %swap3A_801 = vector.shape_cast %convert_element_type3A_796 : vector<16xf32> to vector<1x16xf32>
      tpu.vector_store %arg7[%swap3A_797, %swap3A_798], %swap3A_801 {strides = array<i32>} : memref<200x128xf32, #tpu.memory_space<vmem>>, vector<1x16xf32>,
      %get3A_802 = arith.index_cast %add3A_719 : i32 to index
      %get3A_803 = arith.constant 64 : index
      %get3A_804 = tpu.vector_load %arg6[%get3A_802, %get3A_803] {strides = array<i32>} : memref<200x128xi32, #tpu.memory_space<vmem>>, vector<1x16xi32>,
      %get3A_805 = vector.shape_cast %get3A_804 : vector<1x16xi32> to vector<16xi32>
      %min3A_806 = arith.constant 1 : i32
      %min3A_807 = vector.broadcast %min3A_806 : i32 to vector<16xi32>
      %min3A_808 = arith.minsi %get3A_805, %min3A_807 : vector<16xi32>
      %convert_element_type3A_809 = arith.sitofp %min3A_808 : vector<16xi32> to vector<16xf32>
      %swap3A_810 = arith.index_cast %add3A_719 : i32 to index
      %swap3A_811 = arith.constant 64 : index
      %swap3A_812 = tpu.vector_load %arg7[%swap3A_810, %swap3A_811] {strides = array<i32>} : memref<200x128xf32, #tpu.memory_space<vmem>>, vector<1x16xf32>,
      %swap3A_813 = vector.shape_cast %swap3A_812 : vector<1x16xf32> to vector<16xf32>
      %swap3A_814 = vector.shape_cast %convert_element_type3A_809 : vector<16xf32> to vector<1x16xf32>
      tpu.vector_store %arg7[%swap3A_810, %swap3A_811], %swap3A_814 {strides = array<i32>} : memref<200x128xf32, #tpu.memory_space<vmem>>, vector<1x16xf32>,
      %get3A_815 = arith.index_cast %add3A_719 : i32 to index
      %get3A_816 = arith.constant 80 : index
      %get3A_817 = tpu.vector_load %arg6[%get3A_815, %get3A_816] {strides = array<i32>} : memref<200x128xi32, #tpu.memory_space<vmem>>, vector<1x16xi32>,
      %get3A_818 = vector.shape_cast %get3A_817 : vector<1x16xi32> to vector<16xi32>
      %min3A_819 = arith.constant 1 : i32
      %min3A_820 = vector.broadcast %min3A_819 : i32 to vector<16xi32>
      %min3A_821 = arith.minsi %get3A_818, %min3A_820 : vector<16xi32>
      %convert_element_type3A_822 = arith.sitofp %min3A_821 : vector<16xi32> to vector<16xf32>
      %swap3A_823 = arith.index_cast %add3A_719 : i32 to index
      %swap3A_824 = arith.constant 80 : index
      %swap3A_825 = tpu.vector_load %arg7[%swap3A_823, %swap3A_824] {strides = array<i32>} : memref<200x128xf32, #tpu.memory_space<vmem>>, vector<1x16xf32>,
      %swap3A_826 = vector.shape_cast %swap3A_825 : vector<1x16xf32> to vector<16xf32>
      %swap3A_827 = vector.shape_cast %convert_element_type3A_822 : vector<16xf32> to vector<1x16xf32>
      tpu.vector_store %arg7[%swap3A_823, %swap3A_824], %swap3A_827 {strides = array<i32>} : memref<200x128xf32, #tpu.memory_space<vmem>>, vector<1x16xf32>,
      %get3A_828 = arith.index_cast %add3A_719 : i32 to index
      %get3A_829 = arith.constant 96 : index
      %get3A_830 = tpu.vector_load %arg6[%get3A_828, %get3A_829] {strides = array<i32>} : memref<200x128xi32, #tpu.memory_space<vmem>>, vector<1x16xi32>,
      %get3A_831 = vector.shape_cast %get3A_830 : vector<1x16xi32> to vector<16xi32>
      %min3A_832 = arith.constant 1 : i32
      %min3A_833 = vector.broadcast %min3A_832 : i32 to vector<16xi32>
      %min3A_834 = arith.minsi %get3A_831, %min3A_833 : vector<16xi32>
      %convert_element_type3A_835 = arith.sitofp %min3A_834 : vector<16xi32> to vector<16xf32>
      %swap3A_836 = arith.index_cast %add3A_719 : i32 to index
      %swap3A_837 = arith.constant 96 : index
      %swap3A_838 = tpu.vector_load %arg7[%swap3A_836, %swap3A_837] {strides = array<i32>} : memref<200x128xf32, #tpu.memory_space<vmem>>, vector<1x16xf32>,
      %swap3A_839 = vector.shape_cast %swap3A_838 : vector<1x16xf32> to vector<16xf32>
      %swap3A_840 = vector.shape_cast %convert_element_type3A_835 : vector<16xf32> to vector<1x16xf32>
      tpu.vector_store %arg7[%swap3A_836, %swap3A_837], %swap3A_840 {strides = array<i32>} : memref<200x128xf32, #tpu.memory_space<vmem>>, vector<1x16xf32>,
      %get3A_841 = arith.index_cast %add3A_719 : i32 to index
      %get3A_842 = arith.constant 112 : index
      %get3A_843 = tpu.vector_load %arg6[%get3A_841, %get3A_842] {strides = array<i32>} : memref<200x128xi32, #tpu.memory_space<vmem>>, vector<1x16xi32>,
      %get3A_844 = vector.shape_cast %get3A_843 : vector<1x16xi32> to vector<16xi32>
      %min3A_845 = arith.constant 1 : i32
      %min3A_846 = vector.broadcast %min3A_845 : i32 to vector<16xi32>
      %min3A_847 = arith.minsi %get3A_844, %min3A_846 : vector<16xi32>
      %convert_element_type3A_848 = arith.sitofp %min3A_847 : vector<16xi32> to vector<16xf32>
      %swap3A_849 = arith.index_cast %add3A_719 : i32 to index
      %swap3A_850 = arith.constant 112 : index
      %swap3A_851 = tpu.vector_load %arg7[%swap3A_849, %swap3A_850] {strides = array<i32>} : memref<200x128xf32, #tpu.memory_space<vmem>>, vector<1x16xf32>,
      %swap3A_852 = vector.shape_cast %swap3A_851 : vector<1x16xf32> to vector<16xf32>
      %swap3A_853 = vector.shape_cast %convert_element_type3A_848 : vector<16xf32> to vector<1x16xf32>
      tpu.vector_store %arg7[%swap3A_849, %swap3A_850], %swap3A_853 {strides = array<i32>} : memref<200x128xf32, #tpu.memory_space<vmem>>, vector<1x16xf32>,
      %dma_wait3A_854 = arith.constant 2 : i32
      %dma_wait3A_855 = arith.constant 0 : i32
      %dma_wait3A_856 = arith.constant 0 : i32
      %dma_wait3A_857 = tpu.memref_slice %arg8[%dma_wait3A_854, %dma_wait3A_855, %dma_wait3A_856] : memref<4x128x128xf32, #tpu.memory_space<vmem>> -> memref<1x128x128xf32, #tpu.memory_space<vmem>>
      %dma_wait3A_858 = tpu.memref_squeeze %dma_wait3A_857 : memref<1x128x128xf32, #tpu.memory_space<vmem>> -> memref<128x128xf32, #tpu.memory_space<vmem>>
      %dma_wait3A_859 = arith.constant 0 : i32
      %dma_wait3A_860 = tpu.memref_slice %arg6[%add3A_719, %dma_wait3A_859] : memref<200x128xi32, #tpu.memory_space<vmem>> -> memref<1x128xi32, #tpu.memory_space<vmem>>
      %dma_wait3A_861 = tpu.memref_squeeze %dma_wait3A_860 : memref<1x128xi32, #tpu.memory_space<vmem>> -> memref<128xi32, #tpu.memory_space<vmem>>
      %dma_wait3A_862 = arith.constant 0 : i32
      %dma_wait3A_863 = arith.constant 0 : i32
      %dma_wait3A_864 = tpu.memref_slice %arg2[%dma_wait3A_862, %dma_wait3A_863] : memref<1000000x128xf32, #tpu.memory_space<hbm>> -> memref<1000000x128xf32, #tpu.memory_space<hbm>>
      tpu.wait_indirect_dma semaphore(%arg11 : memref<!tpu.dma_semaphore, #tpu.memory_space<semaphore_mem>>) src(%dma_wait3A_864 : memref<1000000x128xf32, #tpu.memory_space<hbm>>) dst(%dma_wait3A_858 : memref<128x128xf32, #tpu.memory_space<vmem>>)
      %mul3A_865 = arith.constant 128 : i32
      %mul3A_866 = arith.muli %add3A_719, %mul3A_865 : i32
      %add3A_867 = arith.addi %mul3A_2, %mul3A_866 : i32
      %dma_start3A_868 = arith.constant 2 : i32
      %dma_start3A_869 = arith.constant 0 : i32
      %dma_start3A_870 = arith.constant 0 : i32
      %dma_start3A_871 = tpu.memref_slice %arg8[%dma_start3A_868, %dma_start3A_869, %dma_start3A_870] : memref<4x128x128xf32, #tpu.memory_space<vmem>> -> memref<1x128x64xf32, #tpu.memory_space<vmem>>
      %dma_start3A_872 = tpu.memref_squeeze %dma_start3A_871 : memref<1x128x64xf32, #tpu.memory_space<vmem>> -> memref<128x64xf32, #tpu.memory_space<vmem>>
      %dma_start3A_873 = arith.constant 0 : i32
      %dma_start3A_874 = tpu.memref_slice %arg4[%add3A_867, %dma_start3A_873] : memref<819200x128xf32, #tpu.memory_space<hbm>> -> memref<128x64xf32, #tpu.memory_space<hbm>>
      %dma_start3A_875 = arith.constant 0 : i32
      %dma_start3A_876 = tpu.memref_slice %arg4[%add3A_867, %dma_start3A_875] : memref<819200x128xf32, #tpu.memory_space<hbm>> -> memref<128x64xf32, #tpu.memory_space<hbm>>
      %dma_start3A_877 = arith.constant 0 : i32
      %dma_start3A_878 = arith.constant 0 : i32
      %dma_start3A_879 = tpu.memref_slice %arg8[%dma_start3A_868, %dma_start3A_877, %dma_start3A_878] : memref<4x128x128xf32, #tpu.memory_space<vmem>> -> memref<1x128x64xf32, #tpu.memory_space<vmem>>
      %dma_start3A_880 = tpu.memref_squeeze %dma_start3A_879 : memref<1x128x64xf32, #tpu.memory_space<vmem>> -> memref<128x64xf32, #tpu.memory_space<vmem>>
      tpu.enqueue_dma source(%dma_start3A_880 : memref<128x64xf32, #tpu.memory_space<vmem>>) target(%dma_start3A_876 : memref<128x64xf32, #tpu.memory_space<hbm>>) target_semaphore(%arg15 : memref<!tpu.dma_semaphore, #tpu.memory_space<semaphore_mem>>)
      %mul3A_881 = arith.constant 4 : i32
      %mul3A_882 = arith.muli %scan3A_713, %mul3A_881 : i32
      %add3A_883 = arith.constant 2 : i32
      %add3A_884 = arith.addi %add3A_883, %mul3A_882 : i32
      %add3A_885 = arith.constant 1 : i32
      %add3A_886 = arith.addi %add3A_884, %add3A_885 : i32
      %sub3A_887 = arith.constant 2 : i32
      %sub3A_888 = arith.subi %add3A_886, %sub3A_887 : i32
      %mul3A_889 = arith.constant 128 : i32
      %mul3A_890 = arith.muli %sub3A_888, %mul3A_889 : i32
      %add3A_891 = arith.addi %mul3A_2, %mul3A_890 : i32
      %dma_wait3A_892 = arith.constant 1 : i32
      %dma_wait3A_893 = arith.constant 0 : i32
      %dma_wait3A_894 = arith.constant 0 : i32
      %dma_wait3A_895 = tpu.memref_slice %arg8[%dma_wait3A_892, %dma_wait3A_893, %dma_wait3A_894] : memref<4x128x128xf32, #tpu.memory_space<vmem>> -> memref<1x128x64xf32, #tpu.memory_space<vmem>>
      %dma_wait3A_896 = tpu.memref_squeeze %dma_wait3A_895 : memref<1x128x64xf32, #tpu.memory_space<vmem>> -> memref<128x64xf32, #tpu.memory_space<vmem>>
      %dma_wait3A_897 = arith.constant 0 : i32
      %dma_wait3A_898 = tpu.memref_slice %arg4[%add3A_891, %dma_wait3A_897] : memref<819200x128xf32, #tpu.memory_space<hbm>> -> memref<128x64xf32, #tpu.memory_space<hbm>>
      %dma_wait3A_899 = arith.constant 0 : i32
      %dma_wait3A_900 = tpu.memref_slice %arg4[%add3A_891, %dma_wait3A_899] : memref<819200x128xf32, #tpu.memory_space<hbm>> -> memref<128x64xf32, #tpu.memory_space<hbm>>
      %dma_wait3A_901 = arith.constant 0 : i32
      %dma_wait3A_902 = arith.constant 0 : i32
      %dma_wait3A_903 = tpu.memref_slice %arg8[%dma_wait3A_892, %dma_wait3A_901, %dma_wait3A_902] : memref<4x128x128xf32, #tpu.memory_space<vmem>> -> memref<1x128x64xf32, #tpu.memory_space<vmem>>
      %dma_wait3A_904 = tpu.memref_squeeze %dma_wait3A_903 : memref<1x128x64xf32, #tpu.memory_space<vmem>> -> memref<128x64xf32, #tpu.memory_space<vmem>>
      tpu.wait_dma2 semaphore(%arg14 : memref<!tpu.dma_semaphore, #tpu.memory_space<semaphore_mem>>) src(%dma_wait3A_904 : memref<128x64xf32, #tpu.memory_space<vmem>>) dst(%dma_wait3A_900 : memref<128x64xf32, #tpu.memory_space<hbm>>)
      %add3A_905 = arith.constant 2 : i32
      %add3A_906 = arith.addi %add3A_886, %add3A_905 : i32
      %dma_start3A_907 = arith.constant 1 : i32
      %dma_start3A_908 = arith.constant 0 : i32
      %dma_start3A_909 = arith.constant 0 : i32
      %dma_start3A_910 = tpu.memref_slice %arg8[%dma_start3A_907, %dma_start3A_908, %dma_start3A_909] : memref<4x128x128xf32, #tpu.memory_space<vmem>> -> memref<1x128x128xf32, #tpu.memory_space<vmem>>
      %dma_start3A_911 = tpu.memref_squeeze %dma_start3A_910 : memref<1x128x128xf32, #tpu.memory_space<vmem>> -> memref<128x128xf32, #tpu.memory_space<vmem>>
      %dma_start3A_912 = arith.constant 0 : i32
      %dma_start3A_913 = tpu.memref_slice %arg6[%add3A_906, %dma_start3A_912] : memref<200x128xi32, #tpu.memory_space<vmem>> -> memref<1x128xi32, #tpu.memory_space<vmem>>
      %dma_start3A_914 = tpu.memref_squeeze %dma_start3A_913 : memref<1x128xi32, #tpu.memory_space<vmem>> -> memref<128xi32, #tpu.memory_space<vmem>>
      %dma_start3A_915 = arith.constant 0 : i32
      %dma_start3A_916 = arith.constant 0 : i32
      %dma_start3A_917 = tpu.memref_slice %arg2[%dma_start3A_915, %dma_start3A_916] : memref<1000000x128xf32, #tpu.memory_space<hbm>> -> memref<1000000x128xf32, #tpu.memory_space<hbm>>
      tpu.enqueue_indirect_dma source(%dma_start3A_917 : memref<1000000x128xf32, #tpu.memory_space<hbm>>) target(%dma_start3A_911 : memref<128x128xf32, #tpu.memory_space<vmem>>) offsets(%dma_start3A_914 : memref<128xi32, #tpu.memory_space<vmem>>) semaphore(%arg10 : memref<!tpu.dma_semaphore, #tpu.memory_space<semaphore_mem>>)
      %get3A_918 = arith.index_cast %add3A_886 : i32 to index
      %get3A_919 = arith.constant 0 : index
      %get3A_920 = tpu.vector_load %arg6[%get3A_918, %get3A_919] {strides = array<i32>} : memref<200x128xi32, #tpu.memory_space<vmem>>, vector<1x16xi32>,
      %get3A_921 = vector.shape_cast %get3A_920 : vector<1x16xi32> to vector<16xi32>
      %min3A_922 = arith.constant 1 : i32
      %min3A_923 = vector.broadcast %min3A_922 : i32 to vector<16xi32>
      %min3A_924 = arith.minsi %get3A_921, %min3A_923 : vector<16xi32>
      %convert_element_type3A_925 = arith.sitofp %min3A_924 : vector<16xi32> to vector<16xf32>
      %swap3A_926 = arith.index_cast %add3A_886 : i32 to index
      %swap3A_927 = arith.constant 0 : index
      %swap3A_928 = tpu.vector_load %arg7[%swap3A_926, %swap3A_927] {strides = array<i32>} : memref<200x128xf32, #tpu.memory_space<vmem>>, vector<1x16xf32>,
      %swap3A_929 = vector.shape_cast %swap3A_928 : vector<1x16xf32> to vector<16xf32>
      %swap3A_930 = vector.shape_cast %convert_element_type3A_925 : vector<16xf32> to vector<1x16xf32>
      tpu.vector_store %arg7[%swap3A_926, %swap3A_927], %swap3A_930 {strides = array<i32>} : memref<200x128xf32, #tpu.memory_space<vmem>>, vector<1x16xf32>,
      %get3A_931 = arith.index_cast %add3A_886 : i32 to index
      %get3A_932 = arith.constant 16 : index
      %get3A_933 = tpu.vector_load %arg6[%get3A_931, %get3A_932] {strides = array<i32>} : memref<200x128xi32, #tpu.memory_space<vmem>>, vector<1x16xi32>,
      %get3A_934 = vector.shape_cast %get3A_933 : vector<1x16xi32> to vector<16xi32>
      %min3A_935 = arith.constant 1 : i32
      %min3A_936 = vector.broadcast %min3A_935 : i32 to vector<16xi32>
      %min3A_937 = arith.minsi %get3A_934, %min3A_936 : vector<16xi32>
      %convert_element_type3A_938 = arith.sitofp %min3A_937 : vector<16xi32> to vector<16xf32>
      %swap3A_939 = arith.index_cast %add3A_886 : i32 to index
      %swap3A_940 = arith.constant 16 : index
      %swap3A_941 = tpu.vector_load %arg7[%swap3A_939, %swap3A_940] {strides = array<i32>} : memref<200x128xf32, #tpu.memory_space<vmem>>, vector<1x16xf32>,
      %swap3A_942 = vector.shape_cast %swap3A_941 : vector<1x16xf32> to vector<16xf32>
      %swap3A_943 = vector.shape_cast %convert_element_type3A_938 : vector<16xf32> to vector<1x16xf32>
      tpu.vector_store %arg7[%swap3A_939, %swap3A_940], %swap3A_943 {strides = array<i32>} : memref<200x128xf32, #tpu.memory_space<vmem>>, vector<1x16xf32>,
      %get3A_944 = arith.index_cast %add3A_886 : i32 to index
      %get3A_945 = arith.constant 32 : index
      %get3A_946 = tpu.vector_load %arg6[%get3A_944, %get3A_945] {strides = array<i32>} : memref<200x128xi32, #tpu.memory_space<vmem>>, vector<1x16xi32>,
      %get3A_947 = vector.shape_cast %get3A_946 : vector<1x16xi32> to vector<16xi32>
      %min3A_948 = arith.constant 1 : i32
      %min3A_949 = vector.broadcast %min3A_948 : i32 to vector<16xi32>
      %min3A_950 = arith.minsi %get3A_947, %min3A_949 : vector<16xi32>
      %convert_element_type3A_951 = arith.sitofp %min3A_950 : vector<16xi32> to vector<16xf32>
      %swap3A_952 = arith.index_cast %add3A_886 : i32 to index
      %swap3A_953 = arith.constant 32 : index
      %swap3A_954 = tpu.vector_load %arg7[%swap3A_952, %swap3A_953] {strides = array<i32>} : memref<200x128xf32, #tpu.memory_space<vmem>>, vector<1x16xf32>,
      %swap3A_955 = vector.shape_cast %swap3A_954 : vector<1x16xf32> to vector<16xf32>
      %swap3A_956 = vector.shape_cast %convert_element_type3A_951 : vector<16xf32> to vector<1x16xf32>
      tpu.vector_store %arg7[%swap3A_952, %swap3A_953], %swap3A_956 {strides = array<i32>} : memref<200x128xf32, #tpu.memory_space<vmem>>, vector<1x16xf32>,
      %get3A_957 = arith.index_cast %add3A_886 : i32 to index
      %get3A_958 = arith.constant 48 : index
      %get3A_959 = tpu.vector_load %arg6[%get3A_957, %get3A_958] {strides = array<i32>} : memref<200x128xi32, #tpu.memory_space<vmem>>, vector<1x16xi32>,
      %get3A_960 = vector.shape_cast %get3A_959 : vector<1x16xi32> to vector<16xi32>
      %min3A_961 = arith.constant 1 : i32
      %min3A_962 = vector.broadcast %min3A_961 : i32 to vector<16xi32>
      %min3A_963 = arith.minsi %get3A_960, %min3A_962 : vector<16xi32>
      %convert_element_type3A_964 = arith.sitofp %min3A_963 : vector<16xi32> to vector<16xf32>
      %swap3A_965 = arith.index_cast %add3A_886 : i32 to index
      %swap3A_966 = arith.constant 48 : index
      %swap3A_967 = tpu.vector_load %arg7[%swap3A_965, %swap3A_966] {strides = array<i32>} : memref<200x128xf32, #tpu.memory_space<vmem>>, vector<1x16xf32>,
      %swap3A_968 = vector.shape_cast %swap3A_967 : vector<1x16xf32> to vector<16xf32>
      %swap3A_969 = vector.shape_cast %convert_element_type3A_964 : vector<16xf32> to vector<1x16xf32>
      tpu.vector_store %arg7[%swap3A_965, %swap3A_966], %swap3A_969 {strides = array<i32>} : memref<200x128xf32, #tpu.memory_space<vmem>>, vector<1x16xf32>,
      %get3A_970 = arith.index_cast %add3A_886 : i32 to index
      %get3A_971 = arith.constant 64 : index
      %get3A_972 = tpu.vector_load %arg6[%get3A_970, %get3A_971] {strides = array<i32>} : memref<200x128xi32, #tpu.memory_space<vmem>>, vector<1x16xi32>,
      %get3A_973 = vector.shape_cast %get3A_972 : vector<1x16xi32> to vector<16xi32>
      %min3A_974 = arith.constant 1 : i32
      %min3A_975 = vector.broadcast %min3A_974 : i32 to vector<16xi32>
      %min3A_976 = arith.minsi %get3A_973, %min3A_975 : vector<16xi32>
      %convert_element_type3A_977 = arith.sitofp %min3A_976 : vector<16xi32> to vector<16xf32>
      %swap3A_978 = arith.index_cast %add3A_886 : i32 to index
      %swap3A_979 = arith.constant 64 : index
      %swap3A_980 = tpu.vector_load %arg7[%swap3A_978, %swap3A_979] {strides = array<i32>} : memref<200x128xf32, #tpu.memory_space<vmem>>, vector<1x16xf32>,
      %swap3A_981 = vector.shape_cast %swap3A_980 : vector<1x16xf32> to vector<16xf32>
      %swap3A_982 = vector.shape_cast %convert_element_type3A_977 : vector<16xf32> to vector<1x16xf32>
      tpu.vector_store %arg7[%swap3A_978, %swap3A_979], %swap3A_982 {strides = array<i32>} : memref<200x128xf32, #tpu.memory_space<vmem>>, vector<1x16xf32>,
      %get3A_983 = arith.index_cast %add3A_886 : i32 to index
      %get3A_984 = arith.constant 80 : index
      %get3A_985 = tpu.vector_load %arg6[%get3A_983, %get3A_984] {strides = array<i32>} : memref<200x128xi32, #tpu.memory_space<vmem>>, vector<1x16xi32>,
      %get3A_986 = vector.shape_cast %get3A_985 : vector<1x16xi32> to vector<16xi32>
      %min3A_987 = arith.constant 1 : i32
      %min3A_988 = vector.broadcast %min3A_987 : i32 to vector<16xi32>
      %min3A_989 = arith.minsi %get3A_986, %min3A_988 : vector<16xi32>
      %convert_element_type3A_990 = arith.sitofp %min3A_989 : vector<16xi32> to vector<16xf32>
      %swap3A_991 = arith.index_cast %add3A_886 : i32 to index
      %swap3A_992 = arith.constant 80 : index
      %swap3A_993 = tpu.vector_load %arg7[%swap3A_991, %swap3A_992] {strides = array<i32>} : memref<200x128xf32, #tpu.memory_space<vmem>>, vector<1x16xf32>,
      %swap3A_994 = vector.shape_cast %swap3A_993 : vector<1x16xf32> to vector<16xf32>
      %swap3A_995 = vector.shape_cast %convert_element_type3A_990 : vector<16xf32> to vector<1x16xf32>
      tpu.vector_store %arg7[%swap3A_991, %swap3A_992], %swap3A_995 {strides = array<i32>} : memref<200x128xf32, #tpu.memory_space<vmem>>, vector<1x16xf32>,
      %get3A_996 = arith.index_cast %add3A_886 : i32 to index
      %get3A_997 = arith.constant 96 : index
      %get3A_998 = tpu.vector_load %arg6[%get3A_996, %get3A_997] {strides = array<i32>} : memref<200x128xi32, #tpu.memory_space<vmem>>, vector<1x16xi32>,
      %get3A_999 = vector.shape_cast %get3A_998 : vector<1x16xi32> to vector<16xi32>
      %min3A_1000 = arith.constant 1 : i32
      %min3A_1001 = vector.broadcast %min3A_1000 : i32 to vector<16xi32>
      %min3A_1002 = arith.minsi %get3A_999, %min3A_1001 : vector<16xi32>
      %convert_element_type3A_1003 = arith.sitofp %min3A_1002 : vector<16xi32> to vector<16xf32>
      %swap3A_1004 = arith.index_cast %add3A_886 : i32 to index
      %swap3A_1005 = arith.constant 96 : index
      %swap3A_1006 = tpu.vector_load %arg7[%swap3A_1004, %swap3A_1005] {strides = array<i32>} : memref<200x128xf32, #tpu.memory_space<vmem>>, vector<1x16xf32>,
      %swap3A_1007 = vector.shape_cast %swap3A_1006 : vector<1x16xf32> to vector<16xf32>
      %swap3A_1008 = vector.shape_cast %convert_element_type3A_1003 : vector<16xf32> to vector<1x16xf32>
      tpu.vector_store %arg7[%swap3A_1004, %swap3A_1005], %swap3A_1008 {strides = array<i32>} : memref<200x128xf32, #tpu.memory_space<vmem>>, vector<1x16xf32>,
      %get3A_1009 = arith.index_cast %add3A_886 : i32 to index
      %get3A_1010 = arith.constant 112 : index
      %get3A_1011 = tpu.vector_load %arg6[%get3A_1009, %get3A_1010] {strides = array<i32>} : memref<200x128xi32, #tpu.memory_space<vmem>>, vector<1x16xi32>,
      %get3A_1012 = vector.shape_cast %get3A_1011 : vector<1x16xi32> to vector<16xi32>
      %min3A_1013 = arith.constant 1 : i32
      %min3A_1014 = vector.broadcast %min3A_1013 : i32 to vector<16xi32>
      %min3A_1015 = arith.minsi %get3A_1012, %min3A_1014 : vector<16xi32>
      %convert_element_type3A_1016 = arith.sitofp %min3A_1015 : vector<16xi32> to vector<16xf32>
      %swap3A_1017 = arith.index_cast %add3A_886 : i32 to index
      %swap3A_1018 = arith.constant 112 : index
      %swap3A_1019 = tpu.vector_load %arg7[%swap3A_1017, %swap3A_1018] {strides = array<i32>} : memref<200x128xf32, #tpu.memory_space<vmem>>, vector<1x16xf32>,
      %swap3A_1020 = vector.shape_cast %swap3A_1019 : vector<1x16xf32> to vector<16xf32>
      %swap3A_1021 = vector.shape_cast %convert_element_type3A_1016 : vector<16xf32> to vector<1x16xf32>
      tpu.vector_store %arg7[%swap3A_1017, %swap3A_1018], %swap3A_1021 {strides = array<i32>} : memref<200x128xf32, #tpu.memory_space<vmem>>, vector<1x16xf32>,
      %dma_wait3A_1022 = arith.constant 3 : i32
      %dma_wait3A_1023 = arith.constant 0 : i32
      %dma_wait3A_1024 = arith.constant 0 : i32
      %dma_wait3A_1025 = tpu.memref_slice %arg8[%dma_wait3A_1022, %dma_wait3A_1023, %dma_wait3A_1024] : memref<4x128x128xf32, #tpu.memory_space<vmem>> -> memref<1x128x128xf32, #tpu.memory_space<vmem>>
      %dma_wait3A_1026 = tpu.memref_squeeze %dma_wait3A_1025 : memref<1x128x128xf32, #tpu.memory_space<vmem>> -> memref<128x128xf32, #tpu.memory_space<vmem>>
      %dma_wait3A_1027 = arith.constant 0 : i32
      %dma_wait3A_1028 = tpu.memref_slice %arg6[%add3A_886, %dma_wait3A_1027] : memref<200x128xi32, #tpu.memory_space<vmem>> -> memref<1x128xi32, #tpu.memory_space<vmem>>
      %dma_wait3A_1029 = tpu.memref_squeeze %dma_wait3A_1028 : memref<1x128xi32, #tpu.memory_space<vmem>> -> memref<128xi32, #tpu.memory_space<vmem>>
      %dma_wait3A_1030 = arith.constant 0 : i32
      %dma_wait3A_1031 = arith.constant 0 : i32
      %dma_wait3A_1032 = tpu.memref_slice %arg2[%dma_wait3A_1030, %dma_wait3A_1031] : memref<1000000x128xf32, #tpu.memory_space<hbm>> -> memref<1000000x128xf32, #tpu.memory_space<hbm>>
      tpu.wait_indirect_dma semaphore(%arg12 : memref<!tpu.dma_semaphore, #tpu.memory_space<semaphore_mem>>) src(%dma_wait3A_1032 : memref<1000000x128xf32, #tpu.memory_space<hbm>>) dst(%dma_wait3A_1026 : memref<128x128xf32, #tpu.memory_space<vmem>>)
      %mul3A_1033 = arith.constant 128 : i32
      %mul3A_1034 = arith.muli %add3A_886, %mul3A_1033 : i32
      %add3A_1035 = arith.addi %mul3A_2, %mul3A_1034 : i32
      %dma_start3A_1036 = arith.constant 3 : i32
      %dma_start3A_1037 = arith.constant 0 : i32
      %dma_start3A_1038 = arith.constant 0 : i32
      %dma_start3A_1039 = tpu.memref_slice %arg8[%dma_start3A_1036, %dma_start3A_1037, %dma_start3A_1038] : memref<4x128x128xf32, #tpu.memory_space<vmem>> -> memref<1x128x64xf32, #tpu.memory_space<vmem>>
      %dma_start3A_1040 = tpu.memref_squeeze %dma_start3A_1039 : memref<1x128x64xf32, #tpu.memory_space<vmem>> -> memref<128x64xf32, #tpu.memory_space<vmem>>
      %dma_start3A_1041 = arith.constant 0 : i32
      %dma_start3A_1042 = tpu.memref_slice %arg4[%add3A_1035, %dma_start3A_1041] : memref<819200x128xf32, #tpu.memory_space<hbm>> -> memref<128x64xf32, #tpu.memory_space<hbm>>
      %dma_start3A_1043 = arith.constant 0 : i32
      %dma_start3A_1044 = tpu.memref_slice %arg4[%add3A_1035, %dma_start3A_1043] : memref<819200x128xf32, #tpu.memory_space<hbm>> -> memref<128x64xf32, #tpu.memory_space<hbm>>
      %dma_start3A_1045 = arith.constant 0 : i32
      %dma_start3A_1046 = arith.constant 0 : i32
      %dma_start3A_1047 = tpu.memref_slice %arg8[%dma_start3A_1036, %dma_start3A_1045, %dma_start3A_1046] : memref<4x128x128xf32, #tpu.memory_space<vmem>> -> memref<1x128x64xf32, #tpu.memory_space<vmem>>
      %dma_start3A_1048 = tpu.memref_squeeze %dma_start3A_1047 : memref<1x128x64xf32, #tpu.memory_space<vmem>> -> memref<128x64xf32, #tpu.memory_space<vmem>>
      tpu.enqueue_dma source(%dma_start3A_1048 : memref<128x64xf32, #tpu.memory_space<vmem>>) target(%dma_start3A_1044 : memref<128x64xf32, #tpu.memory_space<hbm>>) target_semaphore(%arg16 : memref<!tpu.dma_semaphore, #tpu.memory_space<semaphore_mem>>)
      %mul3A_1049 = arith.constant 4 : i32
      %mul3A_1050 = arith.muli %scan3A_713, %mul3A_1049 : i32
      %add3A_1051 = arith.constant 2 : i32
      %add3A_1052 = arith.addi %add3A_1051, %mul3A_1050 : i32
      %add3A_1053 = arith.constant 2 : i32
      %add3A_1054 = arith.addi %add3A_1052, %add3A_1053 : i32
      %sub3A_1055 = arith.constant 2 : i32
      %sub3A_1056 = arith.subi %add3A_1054, %sub3A_1055 : i32
      %mul3A_1057 = arith.constant 128 : i32
      %mul3A_1058 = arith.muli %sub3A_1056, %mul3A_1057 : i32
      %add3A_1059 = arith.addi %mul3A_2, %mul3A_1058 : i32
      %dma_wait3A_1060 = arith.constant 2 : i32
      %dma_wait3A_1061 = arith.constant 0 : i32
      %dma_wait3A_1062 = arith.constant 0 : i32
      %dma_wait3A_1063 = tpu.memref_slice %arg8[%dma_wait3A_1060, %dma_wait3A_1061, %dma_wait3A_1062] : memref<4x128x128xf32, #tpu.memory_space<vmem>> -> memref<1x128x64xf32, #tpu.memory_space<vmem>>
      %dma_wait3A_1064 = tpu.memref_squeeze %dma_wait3A_1063 : memref<1x128x64xf32, #tpu.memory_space<vmem>> -> memref<128x64xf32, #tpu.memory_space<vmem>>
      %dma_wait3A_1065 = arith.constant 0 : i32
      %dma_wait3A_1066 = tpu.memref_slice %arg4[%add3A_1059, %dma_wait3A_1065] : memref<819200x128xf32, #tpu.memory_space<hbm>> -> memref<128x64xf32, #tpu.memory_space<hbm>>
      %dma_wait3A_1067 = arith.constant 0 : i32
      %dma_wait3A_1068 = tpu.memref_slice %arg4[%add3A_1059, %dma_wait3A_1067] : memref<819200x128xf32, #tpu.memory_space<hbm>> -> memref<128x64xf32, #tpu.memory_space<hbm>>
      %dma_wait3A_1069 = arith.constant 0 : i32
      %dma_wait3A_1070 = arith.constant 0 : i32
      %dma_wait3A_1071 = tpu.memref_slice %arg8[%dma_wait3A_1060, %dma_wait3A_1069, %dma_wait3A_1070] : memref<4x128x128xf32, #tpu.memory_space<vmem>> -> memref<1x128x64xf32, #tpu.memory_space<vmem>>
      %dma_wait3A_1072 = tpu.memref_squeeze %dma_wait3A_1071 : memref<1x128x64xf32, #tpu.memory_space<vmem>> -> memref<128x64xf32, #tpu.memory_space<vmem>>
      tpu.wait_dma2 semaphore(%arg15 : memref<!tpu.dma_semaphore, #tpu.memory_space<semaphore_mem>>) src(%dma_wait3A_1072 : memref<128x64xf32, #tpu.memory_space<vmem>>) dst(%dma_wait3A_1068 : memref<128x64xf32, #tpu.memory_space<hbm>>)
      %add3A_1073 = arith.constant 2 : i32
      %add3A_1074 = arith.addi %add3A_1054, %add3A_1073 : i32
      %dma_start3A_1075 = arith.constant 2 : i32
      %dma_start3A_1076 = arith.constant 0 : i32
      %dma_start3A_1077 = arith.constant 0 : i32
      %dma_start3A_1078 = tpu.memref_slice %arg8[%dma_start3A_1075, %dma_start3A_1076, %dma_start3A_1077] : memref<4x128x128xf32, #tpu.memory_space<vmem>> -> memref<1x128x128xf32, #tpu.memory_space<vmem>>
      %dma_start3A_1079 = tpu.memref_squeeze %dma_start3A_1078 : memref<1x128x128xf32, #tpu.memory_space<vmem>> -> memref<128x128xf32, #tpu.memory_space<vmem>>
      %dma_start3A_1080 = arith.constant 0 : i32
      %dma_start3A_1081 = tpu.memref_slice %arg6[%add3A_1074, %dma_start3A_1080] : memref<200x128xi32, #tpu.memory_space<vmem>> -> memref<1x128xi32, #tpu.memory_space<vmem>>
      %dma_start3A_1082 = tpu.memref_squeeze %dma_start3A_1081 : memref<1x128xi32, #tpu.memory_space<vmem>> -> memref<128xi32, #tpu.memory_space<vmem>>
      %dma_start3A_1083 = arith.constant 0 : i32
      %dma_start3A_1084 = arith.constant 0 : i32
      %dma_start3A_1085 = tpu.memref_slice %arg2[%dma_start3A_1083, %dma_start3A_1084] : memref<1000000x128xf32, #tpu.memory_space<hbm>> -> memref<1000000x128xf32, #tpu.memory_space<hbm>>
      tpu.enqueue_indirect_dma source(%dma_start3A_1085 : memref<1000000x128xf32, #tpu.memory_space<hbm>>) target(%dma_start3A_1079 : memref<128x128xf32, #tpu.memory_space<vmem>>) offsets(%dma_start3A_1082 : memref<128xi32, #tpu.memory_space<vmem>>) semaphore(%arg11 : memref<!tpu.dma_semaphore, #tpu.memory_space<semaphore_mem>>)
      %get3A_1086 = arith.index_cast %add3A_1054 : i32 to index
      %get3A_1087 = arith.constant 0 : index
      %get3A_1088 = tpu.vector_load %arg6[%get3A_1086, %get3A_1087] {strides = array<i32>} : memref<200x128xi32, #tpu.memory_space<vmem>>, vector<1x16xi32>,
      %get3A_1089 = vector.shape_cast %get3A_1088 : vector<1x16xi32> to vector<16xi32>
      %min3A_1090 = arith.constant 1 : i32
      %min3A_1091 = vector.broadcast %min3A_1090 : i32 to vector<16xi32>
      %min3A_1092 = arith.minsi %get3A_1089, %min3A_1091 : vector<16xi32>
      %convert_element_type3A_1093 = arith.sitofp %min3A_1092 : vector<16xi32> to vector<16xf32>
      %swap3A_1094 = arith.index_cast %add3A_1054 : i32 to index
      %swap3A_1095 = arith.constant 0 : index
      %swap3A_1096 = tpu.vector_load %arg7[%swap3A_1094, %swap3A_1095] {strides = array<i32>} : memref<200x128xf32, #tpu.memory_space<vmem>>, vector<1x16xf32>,
      %swap3A_1097 = vector.shape_cast %swap3A_1096 : vector<1x16xf32> to vector<16xf32>
      %swap3A_1098 = vector.shape_cast %convert_element_type3A_1093 : vector<16xf32> to vector<1x16xf32>
      tpu.vector_store %arg7[%swap3A_1094, %swap3A_1095], %swap3A_1098 {strides = array<i32>} : memref<200x128xf32, #tpu.memory_space<vmem>>, vector<1x16xf32>,
      %get3A_1099 = arith.index_cast %add3A_1054 : i32 to index
      %get3A_1100 = arith.constant 16 : index
      %get3A_1101 = tpu.vector_load %arg6[%get3A_1099, %get3A_1100] {strides = array<i32>} : memref<200x128xi32, #tpu.memory_space<vmem>>, vector<1x16xi32>,
      %get3A_1102 = vector.shape_cast %get3A_1101 : vector<1x16xi32> to vector<16xi32>
      %min3A_1103 = arith.constant 1 : i32
      %min3A_1104 = vector.broadcast %min3A_1103 : i32 to vector<16xi32>
      %min3A_1105 = arith.minsi %get3A_1102, %min3A_1104 : vector<16xi32>
      %convert_element_type3A_1106 = arith.sitofp %min3A_1105 : vector<16xi32> to vector<16xf32>
      %swap3A_1107 = arith.index_cast %add3A_1054 : i32 to index
      %swap3A_1108 = arith.constant 16 : index
      %swap3A_1109 = tpu.vector_load %arg7[%swap3A_1107, %swap3A_1108] {strides = array<i32>} : memref<200x128xf32, #tpu.memory_space<vmem>>, vector<1x16xf32>,
      %swap3A_1110 = vector.shape_cast %swap3A_1109 : vector<1x16xf32> to vector<16xf32>
      %swap3A_1111 = vector.shape_cast %convert_element_type3A_1106 : vector<16xf32> to vector<1x16xf32>
      tpu.vector_store %arg7[%swap3A_1107, %swap3A_1108], %swap3A_1111 {strides = array<i32>} : memref<200x128xf32, #tpu.memory_space<vmem>>, vector<1x16xf32>,
      %get3A_1112 = arith.index_cast %add3A_1054 : i32 to index
      %get3A_1113 = arith.constant 32 : index
      %get3A_1114 = tpu.vector_load %arg6[%get3A_1112, %get3A_1113] {strides = array<i32>} : memref<200x128xi32, #tpu.memory_space<vmem>>, vector<1x16xi32>,
      %get3A_1115 = vector.shape_cast %get3A_1114 : vector<1x16xi32> to vector<16xi32>
      %min3A_1116 = arith.constant 1 : i32
      %min3A_1117 = vector.broadcast %min3A_1116 : i32 to vector<16xi32>
      %min3A_1118 = arith.minsi %get3A_1115, %min3A_1117 : vector<16xi32>
      %convert_element_type3A_1119 = arith.sitofp %min3A_1118 : vector<16xi32> to vector<16xf32>
      %swap3A_1120 = arith.index_cast %add3A_1054 : i32 to index
      %swap3A_1121 = arith.constant 32 : index
      %swap3A_1122 = tpu.vector_load %arg7[%swap3A_1120, %swap3A_1121] {strides = array<i32>} : memref<200x128xf32, #tpu.memory_space<vmem>>, vector<1x16xf32>,
      %swap3A_1123 = vector.shape_cast %swap3A_1122 : vector<1x16xf32> to vector<16xf32>
      %swap3A_1124 = vector.shape_cast %convert_element_type3A_1119 : vector<16xf32> to vector<1x16xf32>
      tpu.vector_store %arg7[%swap3A_1120, %swap3A_1121], %swap3A_1124 {strides = array<i32>} : memref<200x128xf32, #tpu.memory_space<vmem>>, vector<1x16xf32>,
      %get3A_1125 = arith.index_cast %add3A_1054 : i32 to index
      %get3A_1126 = arith.constant 48 : index
      %get3A_1127 = tpu.vector_load %arg6[%get3A_1125, %get3A_1126] {strides = array<i32>} : memref<200x128xi32, #tpu.memory_space<vmem>>, vector<1x16xi32>,
      %get3A_1128 = vector.shape_cast %get3A_1127 : vector<1x16xi32> to vector<16xi32>
      %min3A_1129 = arith.constant 1 : i32
      %min3A_1130 = vector.broadcast %min3A_1129 : i32 to vector<16xi32>
      %min3A_1131 = arith.minsi %get3A_1128, %min3A_1130 : vector<16xi32>
      %convert_element_type3A_1132 = arith.sitofp %min3A_1131 : vector<16xi32> to vector<16xf32>
      %swap3A_1133 = arith.index_cast %add3A_1054 : i32 to index
      %swap3A_1134 = arith.constant 48 : index
      %swap3A_1135 = tpu.vector_load %arg7[%swap3A_1133, %swap3A_1134] {strides = array<i32>} : memref<200x128xf32, #tpu.memory_space<vmem>>, vector<1x16xf32>,
      %swap3A_1136 = vector.shape_cast %swap3A_1135 : vector<1x16xf32> to vector<16xf32>
      %swap3A_1137 = vector.shape_cast %convert_element_type3A_1132 : vector<16xf32> to vector<1x16xf32>
      tpu.vector_store %arg7[%swap3A_1133, %swap3A_1134], %swap3A_1137 {strides = array<i32>} : memref<200x128xf32, #tpu.memory_space<vmem>>, vector<1x16xf32>,
      %get3A_1138 = arith.index_cast %add3A_1054 : i32 to index
      %get3A_1139 = arith.constant 64 : index
      %get3A_1140 = tpu.vector_load %arg6[%get3A_1138, %get3A_1139] {strides = array<i32>} : memref<200x128xi32, #tpu.memory_space<vmem>>, vector<1x16xi32>,
      %get3A_1141 = vector.shape_cast %get3A_1140 : vector<1x16xi32> to vector<16xi32>
      %min3A_1142 = arith.constant 1 : i32
      %min3A_1143 = vector.broadcast %min3A_1142 : i32 to vector<16xi32>
      %min3A_1144 = arith.minsi %get3A_1141, %min3A_1143 : vector<16xi32>
      %convert_element_type3A_1145 = arith.sitofp %min3A_1144 : vector<16xi32> to vector<16xf32>
      %swap3A_1146 = arith.index_cast %add3A_1054 : i32 to index
      %swap3A_1147 = arith.constant 64 : index
      %swap3A_1148 = tpu.vector_load %arg7[%swap3A_1146, %swap3A_1147] {strides = array<i32>} : memref<200x128xf32, #tpu.memory_space<vmem>>, vector<1x16xf32>,
      %swap3A_1149 = vector.shape_cast %swap3A_1148 : vector<1x16xf32> to vector<16xf32>
      %swap3A_1150 = vector.shape_cast %convert_element_type3A_1145 : vector<16xf32> to vector<1x16xf32>
      tpu.vector_store %arg7[%swap3A_1146, %swap3A_1147], %swap3A_1150 {strides = array<i32>} : memref<200x128xf32, #tpu.memory_space<vmem>>, vector<1x16xf32>,
      %get3A_1151 = arith.index_cast %add3A_1054 : i32 to index
      %get3A_1152 = arith.constant 80 : index
      %get3A_1153 = tpu.vector_load %arg6[%get3A_1151, %get3A_1152] {strides = array<i32>} : memref<200x128xi32, #tpu.memory_space<vmem>>, vector<1x16xi32>,
      %get3A_1154 = vector.shape_cast %get3A_1153 : vector<1x16xi32> to vector<16xi32>
      %min3A_1155 = arith.constant 1 : i32
      %min3A_1156 = vector.broadcast %min3A_1155 : i32 to vector<16xi32>
      %min3A_1157 = arith.minsi %get3A_1154, %min3A_1156 : vector<16xi32>
      %convert_element_type3A_1158 = arith.sitofp %min3A_1157 : vector<16xi32> to vector<16xf32>
      %swap3A_1159 = arith.index_cast %add3A_1054 : i32 to index
      %swap3A_1160 = arith.constant 80 : index
      %swap3A_1161 = tpu.vector_load %arg7[%swap3A_1159, %swap3A_1160] {strides = array<i32>} : memref<200x128xf32, #tpu.memory_space<vmem>>, vector<1x16xf32>,
      %swap3A_1162 = vector.shape_cast %swap3A_1161 : vector<1x16xf32> to vector<16xf32>
      %swap3A_1163 = vector.shape_cast %convert_element_type3A_1158 : vector<16xf32> to vector<1x16xf32>
      tpu.vector_store %arg7[%swap3A_1159, %swap3A_1160], %swap3A_1163 {strides = array<i32>} : memref<200x128xf32, #tpu.memory_space<vmem>>, vector<1x16xf32>,
      %get3A_1164 = arith.index_cast %add3A_1054 : i32 to index
      %get3A_1165 = arith.constant 96 : index
      %get3A_1166 = tpu.vector_load %arg6[%get3A_1164, %get3A_1165] {strides = array<i32>} : memref<200x128xi32, #tpu.memory_space<vmem>>, vector<1x16xi32>,
      %get3A_1167 = vector.shape_cast %get3A_1166 : vector<1x16xi32> to vector<16xi32>
      %min3A_1168 = arith.constant 1 : i32
      %min3A_1169 = vector.broadcast %min3A_1168 : i32 to vector<16xi32>
      %min3A_1170 = arith.minsi %get3A_1167, %min3A_1169 : vector<16xi32>
      %convert_element_type3A_1171 = arith.sitofp %min3A_1170 : vector<16xi32> to vector<16xf32>
      %swap3A_1172 = arith.index_cast %add3A_1054 : i32 to index
      %swap3A_1173 = arith.constant 96 : index
      %swap3A_1174 = tpu.vector_load %arg7[%swap3A_1172, %swap3A_1173] {strides = array<i32>} : memref<200x128xf32, #tpu.memory_space<vmem>>, vector<1x16xf32>,
      %swap3A_1175 = vector.shape_cast %swap3A_1174 : vector<1x16xf32> to vector<16xf32>
      %swap3A_1176 = vector.shape_cast %convert_element_type3A_1171 : vector<16xf32> to vector<1x16xf32>
      tpu.vector_store %arg7[%swap3A_1172, %swap3A_1173], %swap3A_1176 {strides = array<i32>} : memref<200x128xf32, #tpu.memory_space<vmem>>, vector<1x16xf32>,
      %get3A_1177 = arith.index_cast %add3A_1054 : i32 to index
      %get3A_1178 = arith.constant 112 : index
      %get3A_1179 = tpu.vector_load %arg6[%get3A_1177, %get3A_1178] {strides = array<i32>} : memref<200x128xi32, #tpu.memory_space<vmem>>, vector<1x16xi32>,
      %get3A_1180 = vector.shape_cast %get3A_1179 : vector<1x16xi32> to vector<16xi32>
      %min3A_1181 = arith.constant 1 : i32
      %min3A_1182 = vector.broadcast %min3A_1181 : i32 to vector<16xi32>
      %min3A_1183 = arith.minsi %get3A_1180, %min3A_1182 : vector<16xi32>
      %convert_element_type3A_1184 = arith.sitofp %min3A_1183 : vector<16xi32> to vector<16xf32>
      %swap3A_1185 = arith.index_cast %add3A_1054 : i32 to index
      %swap3A_1186 = arith.constant 112 : index
      %swap3A_1187 = tpu.vector_load %arg7[%swap3A_1185, %swap3A_1186] {strides = array<i32>} : memref<200x128xf32, #tpu.memory_space<vmem>>, vector<1x16xf32>,
      %swap3A_1188 = vector.shape_cast %swap3A_1187 : vector<1x16xf32> to vector<16xf32>
      %swap3A_1189 = vector.shape_cast %convert_element_type3A_1184 : vector<16xf32> to vector<1x16xf32>
      tpu.vector_store %arg7[%swap3A_1185, %swap3A_1186], %swap3A_1189 {strides = array<i32>} : memref<200x128xf32, #tpu.memory_space<vmem>>, vector<1x16xf32>,
      %dma_wait3A_1190 = arith.constant 0 : i32
      %dma_wait3A_1191 = arith.constant 0 : i32
      %dma_wait3A_1192 = arith.constant 0 : i32
      %dma_wait3A_1193 = tpu.memref_slice %arg8[%dma_wait3A_1190, %dma_wait3A_1191, %dma_wait3A_1192] : memref<4x128x128xf32, #tpu.memory_space<vmem>> -> memref<1x128x128xf32, #tpu.memory_space<vmem>>
      %dma_wait3A_1194 = tpu.memref_squeeze %dma_wait3A_1193 : memref<1x128x128xf32, #tpu.memory_space<vmem>> -> memref<128x128xf32, #tpu.memory_space<vmem>>
      %dma_wait3A_1195 = arith.constant 0 : i32
      %dma_wait3A_1196 = tpu.memref_slice %arg6[%add3A_1054, %dma_wait3A_1195] : memref<200x128xi32, #tpu.memory_space<vmem>> -> memref<1x128xi32, #tpu.memory_space<vmem>>
      %dma_wait3A_1197 = tpu.memref_squeeze %dma_wait3A_1196 : memref<1x128xi32, #tpu.memory_space<vmem>> -> memref<128xi32, #tpu.memory_space<vmem>>
      %dma_wait3A_1198 = arith.constant 0 : i32
      %dma_wait3A_1199 = arith.constant 0 : i32
      %dma_wait3A_1200 = tpu.memref_slice %arg2[%dma_wait3A_1198, %dma_wait3A_1199] : memref<1000000x128xf32, #tpu.memory_space<hbm>> -> memref<1000000x128xf32, #tpu.memory_space<hbm>>
      tpu.wait_indirect_dma semaphore(%arg9 : memref<!tpu.dma_semaphore, #tpu.memory_space<semaphore_mem>>) src(%dma_wait3A_1200 : memref<1000000x128xf32, #tpu.memory_space<hbm>>) dst(%dma_wait3A_1194 : memref<128x128xf32, #tpu.memory_space<vmem>>)
      %mul3A_1201 = arith.constant 128 : i32
      %mul3A_1202 = arith.muli %add3A_1054, %mul3A_1201 : i32
      %add3A_1203 = arith.addi %mul3A_2, %mul3A_1202 : i32
      %dma_start3A_1204 = arith.constant 0 : i32
      %dma_start3A_1205 = arith.constant 0 : i32
      %dma_start3A_1206 = arith.constant 0 : i32
      %dma_start3A_1207 = tpu.memref_slice %arg8[%dma_start3A_1204, %dma_start3A_1205, %dma_start3A_1206] : memref<4x128x128xf32, #tpu.memory_space<vmem>> -> memref<1x128x64xf32, #tpu.memory_space<vmem>>
      %dma_start3A_1208 = tpu.memref_squeeze %dma_start3A_1207 : memref<1x128x64xf32, #tpu.memory_space<vmem>> -> memref<128x64xf32, #tpu.memory_space<vmem>>
      %dma_start3A_1209 = arith.constant 0 : i32
      %dma_start3A_1210 = tpu.memref_slice %arg4[%add3A_1203, %dma_start3A_1209] : memref<819200x128xf32, #tpu.memory_space<hbm>> -> memref<128x64xf32, #tpu.memory_space<hbm>>
      %dma_start3A_1211 = arith.constant 0 : i32
      %dma_start3A_1212 = tpu.memref_slice %arg4[%add3A_1203, %dma_start3A_1211] : memref<819200x128xf32, #tpu.memory_space<hbm>> -> memref<128x64xf32, #tpu.memory_space<hbm>>
      %dma_start3A_1213 = arith.constant 0 : i32
      %dma_start3A_1214 = arith.constant 0 : i32
      %dma_start3A_1215 = tpu.memref_slice %arg8[%dma_start3A_1204, %dma_start3A_1213, %dma_start3A_1214] : memref<4x128x128xf32, #tpu.memory_space<vmem>> -> memref<1x128x64xf32, #tpu.memory_space<vmem>>
      %dma_start3A_1216 = tpu.memref_squeeze %dma_start3A_1215 : memref<1x128x64xf32, #tpu.memory_space<vmem>> -> memref<128x64xf32, #tpu.memory_space<vmem>>
      tpu.enqueue_dma source(%dma_start3A_1216 : memref<128x64xf32, #tpu.memory_space<vmem>>) target(%dma_start3A_1212 : memref<128x64xf32, #tpu.memory_space<hbm>>) target_semaphore(%arg13 : memref<!tpu.dma_semaphore, #tpu.memory_space<semaphore_mem>>)
      %mul3A_1217 = arith.constant 4 : i32
      %mul3A_1218 = arith.muli %scan3A_713, %mul3A_1217 : i32
      %add3A_1219 = arith.constant 2 : i32
      %add3A_1220 = arith.addi %add3A_1219, %mul3A_1218 : i32
      %add3A_1221 = arith.constant 3 : i32
      %add3A_1222 = arith.addi %add3A_1220, %add3A_1221 : i32
      %sub3A_1223 = arith.constant 2 : i32
      %sub3A_1224 = arith.subi %add3A_1222, %sub3A_1223 : i32
      %mul3A_1225 = arith.constant 128 : i32
      %mul3A_1226 = arith.muli %sub3A_1224, %mul3A_1225 : i32
      %add3A_1227 = arith.addi %mul3A_2, %mul3A_1226 : i32
      %dma_wait3A_1228 = arith.constant 3 : i32
      %dma_wait3A_1229 = arith.constant 0 : i32
      %dma_wait3A_1230 = arith.constant 0 : i32
      %dma_wait3A_1231 = tpu.memref_slice %arg8[%dma_wait3A_1228, %dma_wait3A_1229, %dma_wait3A_1230] : memref<4x128x128xf32, #tpu.memory_space<vmem>> -> memref<1x128x64xf32, #tpu.memory_space<vmem>>
      %dma_wait3A_1232 = tpu.memref_squeeze %dma_wait3A_1231 : memref<1x128x64xf32, #tpu.memory_space<vmem>> -> memref<128x64xf32, #tpu.memory_space<vmem>>
      %dma_wait3A_1233 = arith.constant 0 : i32
      %dma_wait3A_1234 = tpu.memref_slice %arg4[%add3A_1227, %dma_wait3A_1233] : memref<819200x128xf32, #tpu.memory_space<hbm>> -> memref<128x64xf32, #tpu.memory_space<hbm>>
      %dma_wait3A_1235 = arith.constant 0 : i32
      %dma_wait3A_1236 = tpu.memref_slice %arg4[%add3A_1227, %dma_wait3A_1235] : memref<819200x128xf32, #tpu.memory_space<hbm>> -> memref<128x64xf32, #tpu.memory_space<hbm>>
      %dma_wait3A_1237 = arith.constant 0 : i32
      %dma_wait3A_1238 = arith.constant 0 : i32
      %dma_wait3A_1239 = tpu.memref_slice %arg8[%dma_wait3A_1228, %dma_wait3A_1237, %dma_wait3A_1238] : memref<4x128x128xf32, #tpu.memory_space<vmem>> -> memref<1x128x64xf32, #tpu.memory_space<vmem>>
      %dma_wait3A_1240 = tpu.memref_squeeze %dma_wait3A_1239 : memref<1x128x64xf32, #tpu.memory_space<vmem>> -> memref<128x64xf32, #tpu.memory_space<vmem>>
      tpu.wait_dma2 semaphore(%arg16 : memref<!tpu.dma_semaphore, #tpu.memory_space<semaphore_mem>>) src(%dma_wait3A_1240 : memref<128x64xf32, #tpu.memory_space<vmem>>) dst(%dma_wait3A_1236 : memref<128x64xf32, #tpu.memory_space<hbm>>)
      %add3A_1241 = arith.constant 2 : i32
      %add3A_1242 = arith.addi %add3A_1222, %add3A_1241 : i32
      %dma_start3A_1243 = arith.constant 3 : i32
      %dma_start3A_1244 = arith.constant 0 : i32
      %dma_start3A_1245 = arith.constant 0 : i32
      %dma_start3A_1246 = tpu.memref_slice %arg8[%dma_start3A_1243, %dma_start3A_1244, %dma_start3A_1245] : memref<4x128x128xf32, #tpu.memory_space<vmem>> -> memref<1x128x128xf32, #tpu.memory_space<vmem>>
      %dma_start3A_1247 = tpu.memref_squeeze %dma_start3A_1246 : memref<1x128x128xf32, #tpu.memory_space<vmem>> -> memref<128x128xf32, #tpu.memory_space<vmem>>
      %dma_start3A_1248 = arith.constant 0 : i32
      %dma_start3A_1249 = tpu.memref_slice %arg6[%add3A_1242, %dma_start3A_1248] : memref<200x128xi32, #tpu.memory_space<vmem>> -> memref<1x128xi32, #tpu.memory_space<vmem>>
      %dma_start3A_1250 = tpu.memref_squeeze %dma_start3A_1249 : memref<1x128xi32, #tpu.memory_space<vmem>> -> memref<128xi32, #tpu.memory_space<vmem>>
      %dma_start3A_1251 = arith.constant 0 : i32
      %dma_start3A_1252 = arith.constant 0 : i32
      %dma_start3A_1253 = tpu.memref_slice %arg2[%dma_start3A_1251, %dma_start3A_1252] : memref<1000000x128xf32, #tpu.memory_space<hbm>> -> memref<1000000x128xf32, #tpu.memory_space<hbm>>
      tpu.enqueue_indirect_dma source(%dma_start3A_1253 : memref<1000000x128xf32, #tpu.memory_space<hbm>>) target(%dma_start3A_1247 : memref<128x128xf32, #tpu.memory_space<vmem>>) offsets(%dma_start3A_1250 : memref<128xi32, #tpu.memory_space<vmem>>) semaphore(%arg12 : memref<!tpu.dma_semaphore, #tpu.memory_space<semaphore_mem>>)
      %get3A_1254 = arith.index_cast %add3A_1222 : i32 to index
      %get3A_1255 = arith.constant 0 : index
      %get3A_1256 = tpu.vector_load %arg6[%get3A_1254, %get3A_1255] {strides = array<i32>} : memref<200x128xi32, #tpu.memory_space<vmem>>, vector<1x16xi32>,
      %get3A_1257 = vector.shape_cast %get3A_1256 : vector<1x16xi32> to vector<16xi32>
      %min3A_1258 = arith.constant 1 : i32
      %min3A_1259 = vector.broadcast %min3A_1258 : i32 to vector<16xi32>
      %min3A_1260 = arith.minsi %get3A_1257, %min3A_1259 : vector<16xi32>
      %convert_element_type3A_1261 = arith.sitofp %min3A_1260 : vector<16xi32> to vector<16xf32>
      %swap3A_1262 = arith.index_cast %add3A_1222 : i32 to index
      %swap3A_1263 = arith.constant 0 : index
      %swap3A_1264 = tpu.vector_load %arg7[%swap3A_1262, %swap3A_1263] {strides = array<i32>} : memref<200x128xf32, #tpu.memory_space<vmem>>, vector<1x16xf32>,
      %swap3A_1265 = vector.shape_cast %swap3A_1264 : vector<1x16xf32> to vector<16xf32>
      %swap3A_1266 = vector.shape_cast %convert_element_type3A_1261 : vector<16xf32> to vector<1x16xf32>
      tpu.vector_store %arg7[%swap3A_1262, %swap3A_1263], %swap3A_1266 {strides = array<i32>} : memref<200x128xf32, #tpu.memory_space<vmem>>, vector<1x16xf32>,
      %get3A_1267 = arith.index_cast %add3A_1222 : i32 to index
      %get3A_1268 = arith.constant 16 : index
      %get3A_1269 = tpu.vector_load %arg6[%get3A_1267, %get3A_1268] {strides = array<i32>} : memref<200x128xi32, #tpu.memory_space<vmem>>, vector<1x16xi32>,
      %get3A_1270 = vector.shape_cast %get3A_1269 : vector<1x16xi32> to vector<16xi32>
      %min3A_1271 = arith.constant 1 : i32
      %min3A_1272 = vector.broadcast %min3A_1271 : i32 to vector<16xi32>
      %min3A_1273 = arith.minsi %get3A_1270, %min3A_1272 : vector<16xi32>
      %convert_element_type3A_1274 = arith.sitofp %min3A_1273 : vector<16xi32> to vector<16xf32>
      %swap3A_1275 = arith.index_cast %add3A_1222 : i32 to index
      %swap3A_1276 = arith.constant 16 : index
      %swap3A_1277 = tpu.vector_load %arg7[%swap3A_1275, %swap3A_1276] {strides = array<i32>} : memref<200x128xf32, #tpu.memory_space<vmem>>, vector<1x16xf32>,
      %swap3A_1278 = vector.shape_cast %swap3A_1277 : vector<1x16xf32> to vector<16xf32>
      %swap3A_1279 = vector.shape_cast %convert_element_type3A_1274 : vector<16xf32> to vector<1x16xf32>
      tpu.vector_store %arg7[%swap3A_1275, %swap3A_1276], %swap3A_1279 {strides = array<i32>} : memref<200x128xf32, #tpu.memory_space<vmem>>, vector<1x16xf32>,
      %get3A_1280 = arith.index_cast %add3A_1222 : i32 to index
      %get3A_1281 = arith.constant 32 : index
      %get3A_1282 = tpu.vector_load %arg6[%get3A_1280, %get3A_1281] {strides = array<i32>} : memref<200x128xi32, #tpu.memory_space<vmem>>, vector<1x16xi32>,
      %get3A_1283 = vector.shape_cast %get3A_1282 : vector<1x16xi32> to vector<16xi32>
      %min3A_1284 = arith.constant 1 : i32
      %min3A_1285 = vector.broadcast %min3A_1284 : i32 to vector<16xi32>
      %min3A_1286 = arith.minsi %get3A_1283, %min3A_1285 : vector<16xi32>
      %convert_element_type3A_1287 = arith.sitofp %min3A_1286 : vector<16xi32> to vector<16xf32>
      %swap3A_1288 = arith.index_cast %add3A_1222 : i32 to index
      %swap3A_1289 = arith.constant 32 : index
      %swap3A_1290 = tpu.vector_load %arg7[%swap3A_1288, %swap3A_1289] {strides = array<i32>} : memref<200x128xf32, #tpu.memory_space<vmem>>, vector<1x16xf32>,
      %swap3A_1291 = vector.shape_cast %swap3A_1290 : vector<1x16xf32> to vector<16xf32>
      %swap3A_1292 = vector.shape_cast %convert_element_type3A_1287 : vector<16xf32> to vector<1x16xf32>
      tpu.vector_store %arg7[%swap3A_1288, %swap3A_1289], %swap3A_1292 {strides = array<i32>} : memref<200x128xf32, #tpu.memory_space<vmem>>, vector<1x16xf32>,
      %get3A_1293 = arith.index_cast %add3A_1222 : i32 to index
      %get3A_1294 = arith.constant 48 : index
      %get3A_1295 = tpu.vector_load %arg6[%get3A_1293, %get3A_1294] {strides = array<i32>} : memref<200x128xi32, #tpu.memory_space<vmem>>, vector<1x16xi32>,
      %get3A_1296 = vector.shape_cast %get3A_1295 : vector<1x16xi32> to vector<16xi32>
      %min3A_1297 = arith.constant 1 : i32
      %min3A_1298 = vector.broadcast %min3A_1297 : i32 to vector<16xi32>
      %min3A_1299 = arith.minsi %get3A_1296, %min3A_1298 : vector<16xi32>
      %convert_element_type3A_1300 = arith.sitofp %min3A_1299 : vector<16xi32> to vector<16xf32>
      %swap3A_1301 = arith.index_cast %add3A_1222 : i32 to index
      %swap3A_1302 = arith.constant 48 : index
      %swap3A_1303 = tpu.vector_load %arg7[%swap3A_1301, %swap3A_1302] {strides = array<i32>} : memref<200x128xf32, #tpu.memory_space<vmem>>, vector<1x16xf32>,
      %swap3A_1304 = vector.shape_cast %swap3A_1303 : vector<1x16xf32> to vector<16xf32>
      %swap3A_1305 = vector.shape_cast %convert_element_type3A_1300 : vector<16xf32> to vector<1x16xf32>
      tpu.vector_store %arg7[%swap3A_1301, %swap3A_1302], %swap3A_1305 {strides = array<i32>} : memref<200x128xf32, #tpu.memory_space<vmem>>, vector<1x16xf32>,
      %get3A_1306 = arith.index_cast %add3A_1222 : i32 to index
      %get3A_1307 = arith.constant 64 : index
      %get3A_1308 = tpu.vector_load %arg6[%get3A_1306, %get3A_1307] {strides = array<i32>} : memref<200x128xi32, #tpu.memory_space<vmem>>, vector<1x16xi32>,
      %get3A_1309 = vector.shape_cast %get3A_1308 : vector<1x16xi32> to vector<16xi32>
      %min3A_1310 = arith.constant 1 : i32
      %min3A_1311 = vector.broadcast %min3A_1310 : i32 to vector<16xi32>
      %min3A_1312 = arith.minsi %get3A_1309, %min3A_1311 : vector<16xi32>
      %convert_element_type3A_1313 = arith.sitofp %min3A_1312 : vector<16xi32> to vector<16xf32>
      %swap3A_1314 = arith.index_cast %add3A_1222 : i32 to index
      %swap3A_1315 = arith.constant 64 : index
      %swap3A_1316 = tpu.vector_load %arg7[%swap3A_1314, %swap3A_1315] {strides = array<i32>} : memref<200x128xf32, #tpu.memory_space<vmem>>, vector<1x16xf32>,
      %swap3A_1317 = vector.shape_cast %swap3A_1316 : vector<1x16xf32> to vector<16xf32>
      %swap3A_1318 = vector.shape_cast %convert_element_type3A_1313 : vector<16xf32> to vector<1x16xf32>
      tpu.vector_store %arg7[%swap3A_1314, %swap3A_1315], %swap3A_1318 {strides = array<i32>} : memref<200x128xf32, #tpu.memory_space<vmem>>, vector<1x16xf32>,
      %get3A_1319 = arith.index_cast %add3A_1222 : i32 to index
      %get3A_1320 = arith.constant 80 : index
      %get3A_1321 = tpu.vector_load %arg6[%get3A_1319, %get3A_1320] {strides = array<i32>} : memref<200x128xi32, #tpu.memory_space<vmem>>, vector<1x16xi32>,
      %get3A_1322 = vector.shape_cast %get3A_1321 : vector<1x16xi32> to vector<16xi32>
      %min3A_1323 = arith.constant 1 : i32
      %min3A_1324 = vector.broadcast %min3A_1323 : i32 to vector<16xi32>
      %min3A_1325 = arith.minsi %get3A_1322, %min3A_1324 : vector<16xi32>
      %convert_element_type3A_1326 = arith.sitofp %min3A_1325 : vector<16xi32> to vector<16xf32>
      %swap3A_1327 = arith.index_cast %add3A_1222 : i32 to index
      %swap3A_1328 = arith.constant 80 : index
      %swap3A_1329 = tpu.vector_load %arg7[%swap3A_1327, %swap3A_1328] {strides = array<i32>} : memref<200x128xf32, #tpu.memory_space<vmem>>, vector<1x16xf32>,
      %swap3A_1330 = vector.shape_cast %swap3A_1329 : vector<1x16xf32> to vector<16xf32>
      %swap3A_1331 = vector.shape_cast %convert_element_type3A_1326 : vector<16xf32> to vector<1x16xf32>
      tpu.vector_store %arg7[%swap3A_1327, %swap3A_1328], %swap3A_1331 {strides = array<i32>} : memref<200x128xf32, #tpu.memory_space<vmem>>, vector<1x16xf32>,
      %get3A_1332 = arith.index_cast %add3A_1222 : i32 to index
      %get3A_1333 = arith.constant 96 : index
      %get3A_1334 = tpu.vector_load %arg6[%get3A_1332, %get3A_1333] {strides = array<i32>} : memref<200x128xi32, #tpu.memory_space<vmem>>, vector<1x16xi32>,
      %get3A_1335 = vector.shape_cast %get3A_1334 : vector<1x16xi32> to vector<16xi32>
      %min3A_1336 = arith.constant 1 : i32
      %min3A_1337 = vector.broadcast %min3A_1336 : i32 to vector<16xi32>
      %min3A_1338 = arith.minsi %get3A_1335, %min3A_1337 : vector<16xi32>
      %convert_element_type3A_1339 = arith.sitofp %min3A_1338 : vector<16xi32> to vector<16xf32>
      %swap3A_1340 = arith.index_cast %add3A_1222 : i32 to index
      %swap3A_1341 = arith.constant 96 : index
      %swap3A_1342 = tpu.vector_load %arg7[%swap3A_1340, %swap3A_1341] {strides = array<i32>} : memref<200x128xf32, #tpu.memory_space<vmem>>, vector<1x16xf32>,
      %swap3A_1343 = vector.shape_cast %swap3A_1342 : vector<1x16xf32> to vector<16xf32>
      %swap3A_1344 = vector.shape_cast %convert_element_type3A_1339 : vector<16xf32> to vector<1x16xf32>
      tpu.vector_store %arg7[%swap3A_1340, %swap3A_1341], %swap3A_1344 {strides = array<i32>} : memref<200x128xf32, #tpu.memory_space<vmem>>, vector<1x16xf32>,
      %get3A_1345 = arith.index_cast %add3A_1222 : i32 to index
      %get3A_1346 = arith.constant 112 : index
      %get3A_1347 = tpu.vector_load %arg6[%get3A_1345, %get3A_1346] {strides = array<i32>} : memref<200x128xi32, #tpu.memory_space<vmem>>, vector<1x16xi32>,
      %get3A_1348 = vector.shape_cast %get3A_1347 : vector<1x16xi32> to vector<16xi32>
      %min3A_1349 = arith.constant 1 : i32
      %min3A_1350 = vector.broadcast %min3A_1349 : i32 to vector<16xi32>
      %min3A_1351 = arith.minsi %get3A_1348, %min3A_1350 : vector<16xi32>
      %convert_element_type3A_1352 = arith.sitofp %min3A_1351 : vector<16xi32> to vector<16xf32>
      %swap3A_1353 = arith.index_cast %add3A_1222 : i32 to index
      %swap3A_1354 = arith.constant 112 : index
      %swap3A_1355 = tpu.vector_load %arg7[%swap3A_1353, %swap3A_1354] {strides = array<i32>} : memref<200x128xf32, #tpu.memory_space<vmem>>, vector<1x16xf32>,
      %swap3A_1356 = vector.shape_cast %swap3A_1355 : vector<1x16xf32> to vector<16xf32>
      %swap3A_1357 = vector.shape_cast %convert_element_type3A_1352 : vector<16xf32> to vector<1x16xf32>
      tpu.vector_store %arg7[%swap3A_1353, %swap3A_1354], %swap3A_1357 {strides = array<i32>} : memref<200x128xf32, #tpu.memory_space<vmem>>, vector<1x16xf32>,
      %dma_wait3A_1358 = arith.constant 1 : i32
      %dma_wait3A_1359 = arith.constant 0 : i32
      %dma_wait3A_1360 = arith.constant 0 : i32
      %dma_wait3A_1361 = tpu.memref_slice %arg8[%dma_wait3A_1358, %dma_wait3A_1359, %dma_wait3A_1360] : memref<4x128x128xf32, #tpu.memory_space<vmem>> -> memref<1x128x128xf32, #tpu.memory_space<vmem>>
      %dma_wait3A_1362 = tpu.memref_squeeze %dma_wait3A_1361 : memref<1x128x128xf32, #tpu.memory_space<vmem>> -> memref<128x128xf32, #tpu.memory_space<vmem>>
      %dma_wait3A_1363 = arith.constant 0 : i32
      %dma_wait3A_1364 = tpu.memref_slice %arg6[%add3A_1222, %dma_wait3A_1363] : memref<200x128xi32, #tpu.memory_space<vmem>> -> memref<1x128xi32, #tpu.memory_space<vmem>>
      %dma_wait3A_1365 = tpu.memref_squeeze %dma_wait3A_1364 : memref<1x128xi32, #tpu.memory_space<vmem>> -> memref<128xi32, #tpu.memory_space<vmem>>
      %dma_wait3A_1366 = arith.constant 0 : i32
      %dma_wait3A_1367 = arith.constant 0 : i32
      %dma_wait3A_1368 = tpu.memref_slice %arg2[%dma_wait3A_1366, %dma_wait3A_1367] : memref<1000000x128xf32, #tpu.memory_space<hbm>> -> memref<1000000x128xf32, #tpu.memory_space<hbm>>
      tpu.wait_indirect_dma semaphore(%arg10 : memref<!tpu.dma_semaphore, #tpu.memory_space<semaphore_mem>>) src(%dma_wait3A_1368 : memref<1000000x128xf32, #tpu.memory_space<hbm>>) dst(%dma_wait3A_1362 : memref<128x128xf32, #tpu.memory_space<vmem>>)
      %mul3A_1369 = arith.constant 128 : i32
      %mul3A_1370 = arith.muli %add3A_1222, %mul3A_1369 : i32
      %add3A_1371 = arith.addi %mul3A_2, %mul3A_1370 : i32
      %dma_start3A_1372 = arith.constant 1 : i32
      %dma_start3A_1373 = arith.constant 0 : i32
      %dma_start3A_1374 = arith.constant 0 : i32
      %dma_start3A_1375 = tpu.memref_slice %arg8[%dma_start3A_1372, %dma_start3A_1373, %dma_start3A_1374] : memref<4x128x128xf32, #tpu.memory_space<vmem>> -> memref<1x128x64xf32, #tpu.memory_space<vmem>>
      %dma_start3A_1376 = tpu.memref_squeeze %dma_start3A_1375 : memref<1x128x64xf32, #tpu.memory_space<vmem>> -> memref<128x64xf32, #tpu.memory_space<vmem>>
      %dma_start3A_1377 = arith.constant 0 : i32
      %dma_start3A_1378 = tpu.memref_slice %arg4[%add3A_1371, %dma_start3A_1377] : memref<819200x128xf32, #tpu.memory_space<hbm>> -> memref<128x64xf32, #tpu.memory_space<hbm>>
      %dma_start3A_1379 = arith.constant 0 : i32
      %dma_start3A_1380 = tpu.memref_slice %arg4[%add3A_1371, %dma_start3A_1379] : memref<819200x128xf32, #tpu.memory_space<hbm>> -> memref<128x64xf32, #tpu.memory_space<hbm>>
      %dma_start3A_1381 = arith.constant 0 : i32
      %dma_start3A_1382 = arith.constant 0 : i32
      %dma_start3A_1383 = tpu.memref_slice %arg8[%dma_start3A_1372, %dma_start3A_1381, %dma_start3A_1382] : memref<4x128x128xf32, #tpu.memory_space<vmem>> -> memref<1x128x64xf32, #tpu.memory_space<vmem>>
      %dma_start3A_1384 = tpu.memref_squeeze %dma_start3A_1383 : memref<1x128x64xf32, #tpu.memory_space<vmem>> -> memref<128x64xf32, #tpu.memory_space<vmem>>
      tpu.enqueue_dma source(%dma_start3A_1384 : memref<128x64xf32, #tpu.memory_space<vmem>>) target(%dma_start3A_1380 : memref<128x64xf32, #tpu.memory_space<hbm>>) target_semaphore(%arg14 : memref<!tpu.dma_semaphore, #tpu.memory_space<semaphore_mem>>)
    }
    %scan3A_342 = arith.constant 49 : i32
    %get3A_343 = arith.constant 198 : i32
    %get3A_344 = arith.index_cast %get3A_343 : i32 to index
    %get3A_345 = arith.constant 0 : index
    %get3A_346 = tpu.vector_load %arg6[%get3A_344, %get3A_345] {strides = array<i32>} : memref<200x128xi32, #tpu.memory_space<vmem>>, vector<1x16xi32>,
    %get3A_347 = vector.shape_cast %get3A_346 : vector<1x16xi32> to vector<16xi32>
    %min3A_348 = arith.constant 1 : i32
    %min3A_349 = vector.broadcast %min3A_348 : i32 to vector<16xi32>
    %min3A_350 = arith.minsi %get3A_347, %min3A_349 : vector<16xi32>
    %convert_element_type3A_351 = arith.sitofp %min3A_350 : vector<16xi32> to vector<16xf32>
    %swap3A_352 = arith.constant 198 : i32
    %swap3A_353 = arith.index_cast %swap3A_352 : i32 to index
    %swap3A_354 = arith.constant 0 : index
    %swap3A_355 = tpu.vector_load %arg7[%swap3A_353, %swap3A_354] {strides = array<i32>} : memref<200x128xf32, #tpu.memory_space<vmem>>, vector<1x16xf32>,
    %swap3A_356 = vector.shape_cast %swap3A_355 : vector<1x16xf32> to vector<16xf32>
    %swap3A_357 = vector.shape_cast %convert_element_type3A_351 : vector<16xf32> to vector<1x16xf32>
    tpu.vector_store %arg7[%swap3A_353, %swap3A_354], %swap3A_357 {strides = array<i32>} : memref<200x128xf32, #tpu.memory_space<vmem>>, vector<1x16xf32>,
    %get3A_358 = arith.constant 198 : i32
    %get3A_359 = arith.index_cast %get3A_358 : i32 to index
    %get3A_360 = arith.constant 16 : index
    %get3A_361 = tpu.vector_load %arg6[%get3A_359, %get3A_360] {strides = array<i32>} : memref<200x128xi32, #tpu.memory_space<vmem>>, vector<1x16xi32>,
    %get3A_362 = vector.shape_cast %get3A_361 : vector<1x16xi32> to vector<16xi32>
    %min3A_363 = arith.constant 1 : i32
    %min3A_364 = vector.broadcast %min3A_363 : i32 to vector<16xi32>
    %min3A_365 = arith.minsi %get3A_362, %min3A_364 : vector<16xi32>
    %convert_element_type3A_366 = arith.sitofp %min3A_365 : vector<16xi32> to vector<16xf32>
    %swap3A_367 = arith.constant 198 : i32
    %swap3A_368 = arith.index_cast %swap3A_367 : i32 to index
    %swap3A_369 = arith.constant 16 : index
    %swap3A_370 = tpu.vector_load %arg7[%swap3A_368, %swap3A_369] {strides = array<i32>} : memref<200x128xf32, #tpu.memory_space<vmem>>, vector<1x16xf32>,
    %swap3A_371 = vector.shape_cast %swap3A_370 : vector<1x16xf32> to vector<16xf32>
    %swap3A_372 = vector.shape_cast %convert_element_type3A_366 : vector<16xf32> to vector<1x16xf32>
    tpu.vector_store %arg7[%swap3A_368, %swap3A_369], %swap3A_372 {strides = array<i32>} : memref<200x128xf32, #tpu.memory_space<vmem>>, vector<1x16xf32>,
    %get3A_373 = arith.constant 198 : i32
    %get3A_374 = arith.index_cast %get3A_373 : i32 to index
    %get3A_375 = arith.constant 32 : index
    %get3A_376 = tpu.vector_load %arg6[%get3A_374, %get3A_375] {strides = array<i32>} : memref<200x128xi32, #tpu.memory_space<vmem>>, vector<1x16xi32>,
    %get3A_377 = vector.shape_cast %get3A_376 : vector<1x16xi32> to vector<16xi32>
    %min3A_378 = arith.constant 1 : i32
    %min3A_379 = vector.broadcast %min3A_378 : i32 to vector<16xi32>
    %min3A_380 = arith.minsi %get3A_377, %min3A_379 : vector<16xi32>
    %convert_element_type3A_381 = arith.sitofp %min3A_380 : vector<16xi32> to vector<16xf32>
    %swap3A_382 = arith.constant 198 : i32
    %swap3A_383 = arith.index_cast %swap3A_382 : i32 to index
    %swap3A_384 = arith.constant 32 : index
    %swap3A_385 = tpu.vector_load %arg7[%swap3A_383, %swap3A_384] {strides = array<i32>} : memref<200x128xf32, #tpu.memory_space<vmem>>, vector<1x16xf32>,
    %swap3A_386 = vector.shape_cast %swap3A_385 : vector<1x16xf32> to vector<16xf32>
    %swap3A_387 = vector.shape_cast %convert_element_type3A_381 : vector<16xf32> to vector<1x16xf32>
    tpu.vector_store %arg7[%swap3A_383, %swap3A_384], %swap3A_387 {strides = array<i32>} : memref<200x128xf32, #tpu.memory_space<vmem>>, vector<1x16xf32>,
    %get3A_388 = arith.constant 198 : i32
    %get3A_389 = arith.index_cast %get3A_388 : i32 to index
    %get3A_390 = arith.constant 48 : index
    %get3A_391 = tpu.vector_load %arg6[%get3A_389, %get3A_390] {strides = array<i32>} : memref<200x128xi32, #tpu.memory_space<vmem>>, vector<1x16xi32>,
    %get3A_392 = vector.shape_cast %get3A_391 : vector<1x16xi32> to vector<16xi32>
    %min3A_393 = arith.constant 1 : i32
    %min3A_394 = vector.broadcast %min3A_393 : i32 to vector<16xi32>
    %min3A_395 = arith.minsi %get3A_392, %min3A_394 : vector<16xi32>
    %convert_element_type3A_396 = arith.sitofp %min3A_395 : vector<16xi32> to vector<16xf32>
    %swap3A_397 = arith.constant 198 : i32
    %swap3A_398 = arith.index_cast %swap3A_397 : i32 to index
    %swap3A_399 = arith.constant 48 : index
    %swap3A_400 = tpu.vector_load %arg7[%swap3A_398, %swap3A_399] {strides = array<i32>} : memref<200x128xf32, #tpu.memory_space<vmem>>, vector<1x16xf32>,
    %swap3A_401 = vector.shape_cast %swap3A_400 : vector<1x16xf32> to vector<16xf32>
    %swap3A_402 = vector.shape_cast %convert_element_type3A_396 : vector<16xf32> to vector<1x16xf32>
    tpu.vector_store %arg7[%swap3A_398, %swap3A_399], %swap3A_402 {strides = array<i32>} : memref<200x128xf32, #tpu.memory_space<vmem>>, vector<1x16xf32>,
    %get3A_403 = arith.constant 198 : i32
    %get3A_404 = arith.index_cast %get3A_403 : i32 to index
    %get3A_405 = arith.constant 64 : index
    %get3A_406 = tpu.vector_load %arg6[%get3A_404, %get3A_405] {strides = array<i32>} : memref<200x128xi32, #tpu.memory_space<vmem>>, vector<1x16xi32>,
    %get3A_407 = vector.shape_cast %get3A_406 : vector<1x16xi32> to vector<16xi32>
    %min3A_408 = arith.constant 1 : i32
    %min3A_409 = vector.broadcast %min3A_408 : i32 to vector<16xi32>
    %min3A_410 = arith.minsi %get3A_407, %min3A_409 : vector<16xi32>
    %convert_element_type3A_411 = arith.sitofp %min3A_410 : vector<16xi32> to vector<16xf32>
    %swap3A_412 = arith.constant 198 : i32
    %swap3A_413 = arith.index_cast %swap3A_412 : i32 to index
    %swap3A_414 = arith.constant 64 : index
    %swap3A_415 = tpu.vector_load %arg7[%swap3A_413, %swap3A_414] {strides = array<i32>} : memref<200x128xf32, #tpu.memory_space<vmem>>, vector<1x16xf32>,
    %swap3A_416 = vector.shape_cast %swap3A_415 : vector<1x16xf32> to vector<16xf32>
    %swap3A_417 = vector.shape_cast %convert_element_type3A_411 : vector<16xf32> to vector<1x16xf32>
    tpu.vector_store %arg7[%swap3A_413, %swap3A_414], %swap3A_417 {strides = array<i32>} : memref<200x128xf32, #tpu.memory_space<vmem>>, vector<1x16xf32>,
    %get3A_418 = arith.constant 198 : i32
    %get3A_419 = arith.index_cast %get3A_418 : i32 to index
    %get3A_420 = arith.constant 80 : index
    %get3A_421 = tpu.vector_load %arg6[%get3A_419, %get3A_420] {strides = array<i32>} : memref<200x128xi32, #tpu.memory_space<vmem>>, vector<1x16xi32>,
    %get3A_422 = vector.shape_cast %get3A_421 : vector<1x16xi32> to vector<16xi32>
    %min3A_423 = arith.constant 1 : i32
    %min3A_424 = vector.broadcast %min3A_423 : i32 to vector<16xi32>
    %min3A_425 = arith.minsi %get3A_422, %min3A_424 : vector<16xi32>
    %convert_element_type3A_426 = arith.sitofp %min3A_425 : vector<16xi32> to vector<16xf32>
    %swap3A_427 = arith.constant 198 : i32
    %swap3A_428 = arith.index_cast %swap3A_427 : i32 to index
    %swap3A_429 = arith.constant 80 : index
    %swap3A_430 = tpu.vector_load %arg7[%swap3A_428, %swap3A_429] {strides = array<i32>} : memref<200x128xf32, #tpu.memory_space<vmem>>, vector<1x16xf32>,
    %swap3A_431 = vector.shape_cast %swap3A_430 : vector<1x16xf32> to vector<16xf32>
    %swap3A_432 = vector.shape_cast %convert_element_type3A_426 : vector<16xf32> to vector<1x16xf32>
    tpu.vector_store %arg7[%swap3A_428, %swap3A_429], %swap3A_432 {strides = array<i32>} : memref<200x128xf32, #tpu.memory_space<vmem>>, vector<1x16xf32>,
    %get3A_433 = arith.constant 198 : i32
    %get3A_434 = arith.index_cast %get3A_433 : i32 to index
    %get3A_435 = arith.constant 96 : index
    %get3A_436 = tpu.vector_load %arg6[%get3A_434, %get3A_435] {strides = array<i32>} : memref<200x128xi32, #tpu.memory_space<vmem>>, vector<1x16xi32>,
    %get3A_437 = vector.shape_cast %get3A_436 : vector<1x16xi32> to vector<16xi32>
    %min3A_438 = arith.constant 1 : i32
    %min3A_439 = vector.broadcast %min3A_438 : i32 to vector<16xi32>
    %min3A_440 = arith.minsi %get3A_437, %min3A_439 : vector<16xi32>
    %convert_element_type3A_441 = arith.sitofp %min3A_440 : vector<16xi32> to vector<16xf32>
    %swap3A_442 = arith.constant 198 : i32
    %swap3A_443 = arith.index_cast %swap3A_442 : i32 to index
    %swap3A_444 = arith.constant 96 : index
    %swap3A_445 = tpu.vector_load %arg7[%swap3A_443, %swap3A_444] {strides = array<i32>} : memref<200x128xf32, #tpu.memory_space<vmem>>, vector<1x16xf32>,
    %swap3A_446 = vector.shape_cast %swap3A_445 : vector<1x16xf32> to vector<16xf32>
    %swap3A_447 = vector.shape_cast %convert_element_type3A_441 : vector<16xf32> to vector<1x16xf32>
    tpu.vector_store %arg7[%swap3A_443, %swap3A_444], %swap3A_447 {strides = array<i32>} : memref<200x128xf32, #tpu.memory_space<vmem>>, vector<1x16xf32>,
    %get3A_448 = arith.constant 198 : i32
    %get3A_449 = arith.index_cast %get3A_448 : i32 to index
    %get3A_450 = arith.constant 112 : index
    %get3A_451 = tpu.vector_load %arg6[%get3A_449, %get3A_450] {strides = array<i32>} : memref<200x128xi32, #tpu.memory_space<vmem>>, vector<1x16xi32>,
    %get3A_452 = vector.shape_cast %get3A_451 : vector<1x16xi32> to vector<16xi32>
    %min3A_453 = arith.constant 1 : i32
    %min3A_454 = vector.broadcast %min3A_453 : i32 to vector<16xi32>
    %min3A_455 = arith.minsi %get3A_452, %min3A_454 : vector<16xi32>
    %convert_element_type3A_456 = arith.sitofp %min3A_455 : vector<16xi32> to vector<16xf32>
    %swap3A_457 = arith.constant 198 : i32
    %swap3A_458 = arith.index_cast %swap3A_457 : i32 to index
    %swap3A_459 = arith.constant 112 : index
    %swap3A_460 = tpu.vector_load %arg7[%swap3A_458, %swap3A_459] {strides = array<i32>} : memref<200x128xf32, #tpu.memory_space<vmem>>, vector<1x16xf32>,
    %swap3A_461 = vector.shape_cast %swap3A_460 : vector<1x16xf32> to vector<16xf32>
    %swap3A_462 = vector.shape_cast %convert_element_type3A_456 : vector<16xf32> to vector<1x16xf32>
    tpu.vector_store %arg7[%swap3A_458, %swap3A_459], %swap3A_462 {strides = array<i32>} : memref<200x128xf32, #tpu.memory_space<vmem>>, vector<1x16xf32>,
    %dma_wait3A_463 = arith.constant 198 : i32
    %dma_wait3A_464 = arith.constant 2 : i32
    %dma_wait3A_465 = arith.constant 0 : i32
    %dma_wait3A_466 = arith.constant 0 : i32
    %dma_wait3A_467 = tpu.memref_slice %arg8[%dma_wait3A_464, %dma_wait3A_465, %dma_wait3A_466] : memref<4x128x128xf32, #tpu.memory_space<vmem>> -> memref<1x128x128xf32, #tpu.memory_space<vmem>>
    %dma_wait3A_468 = tpu.memref_squeeze %dma_wait3A_467 : memref<1x128x128xf32, #tpu.memory_space<vmem>> -> memref<128x128xf32, #tpu.memory_space<vmem>>
    %dma_wait3A_469 = arith.constant 0 : i32
    %dma_wait3A_470 = tpu.memref_slice %arg6[%dma_wait3A_463, %dma_wait3A_469] : memref<200x128xi32, #tpu.memory_space<vmem>> -> memref<1x128xi32, #tpu.memory_space<vmem>>
    %dma_wait3A_471 = tpu.memref_squeeze %dma_wait3A_470 : memref<1x128xi32, #tpu.memory_space<vmem>> -> memref<128xi32, #tpu.memory_space<vmem>>
    %dma_wait3A_472 = arith.constant 0 : i32
    %dma_wait3A_473 = arith.constant 0 : i32
    %dma_wait3A_474 = tpu.memref_slice %arg2[%dma_wait3A_472, %dma_wait3A_473] : memref<1000000x128xf32, #tpu.memory_space<hbm>> -> memref<1000000x128xf32, #tpu.memory_space<hbm>>
    tpu.wait_indirect_dma semaphore(%arg11 : memref<!tpu.dma_semaphore, #tpu.memory_space<semaphore_mem>>) src(%dma_wait3A_474 : memref<1000000x128xf32, #tpu.memory_space<hbm>>) dst(%dma_wait3A_468 : memref<128x128xf32, #tpu.memory_space<vmem>>)
    %add3A_475 = arith.constant 25344 : i32
    %add3A_476 = arith.addi %mul3A_2, %add3A_475 : i32
    %dma_start3A_477 = arith.constant 2 : i32
    %dma_start3A_478 = arith.constant 0 : i32
    %dma_start3A_479 = arith.constant 0 : i32
    %dma_start3A_480 = tpu.memref_slice %arg8[%dma_start3A_477, %dma_start3A_478, %dma_start3A_479] : memref<4x128x128xf32, #tpu.memory_space<vmem>> -> memref<1x128x64xf32, #tpu.memory_space<vmem>>
    %dma_start3A_481 = tpu.memref_squeeze %dma_start3A_480 : memref<1x128x64xf32, #tpu.memory_space<vmem>> -> memref<128x64xf32, #tpu.memory_space<vmem>>
    %dma_start3A_482 = arith.constant 0 : i32
    %dma_start3A_483 = tpu.memref_slice %arg4[%add3A_476, %dma_start3A_482] : memref<819200x128xf32, #tpu.memory_space<hbm>> -> memref<128x64xf32, #tpu.memory_space<hbm>>
    %dma_start3A_484 = arith.constant 0 : i32
    %dma_start3A_485 = tpu.memref_slice %arg4[%add3A_476, %dma_start3A_484] : memref<819200x128xf32, #tpu.memory_space<hbm>> -> memref<128x64xf32, #tpu.memory_space<hbm>>
    %dma_start3A_486 = arith.constant 0 : i32
    %dma_start3A_487 = arith.constant 0 : i32
    %dma_start3A_488 = tpu.memref_slice %arg8[%dma_start3A_477, %dma_start3A_486, %dma_start3A_487] : memref<4x128x128xf32, #tpu.memory_space<vmem>> -> memref<1x128x64xf32, #tpu.memory_space<vmem>>
    %dma_start3A_489 = tpu.memref_squeeze %dma_start3A_488 : memref<1x128x64xf32, #tpu.memory_space<vmem>> -> memref<128x64xf32, #tpu.memory_space<vmem>>
    tpu.enqueue_dma source(%dma_start3A_489 : memref<128x64xf32, #tpu.memory_space<vmem>>) target(%dma_start3A_485 : memref<128x64xf32, #tpu.memory_space<hbm>>) target_semaphore(%arg15 : memref<!tpu.dma_semaphore, #tpu.memory_space<semaphore_mem>>)
    %get3A_490 = arith.constant 199 : i32
    %get3A_491 = arith.index_cast %get3A_490 : i32 to index
    %get3A_492 = arith.constant 0 : index
    %get3A_493 = tpu.vector_load %arg6[%get3A_491, %get3A_492] {strides = array<i32>} : memref<200x128xi32, #tpu.memory_space<vmem>>, vector<1x16xi32>,
    %get3A_494 = vector.shape_cast %get3A_493 : vector<1x16xi32> to vector<16xi32>
    %min3A_495 = arith.constant 1 : i32
    %min3A_496 = vector.broadcast %min3A_495 : i32 to vector<16xi32>
    %min3A_497 = arith.minsi %get3A_494, %min3A_496 : vector<16xi32>
    %convert_element_type3A_498 = arith.sitofp %min3A_497 : vector<16xi32> to vector<16xf32>
    %swap3A_499 = arith.constant 199 : i32
    %swap3A_500 = arith.index_cast %swap3A_499 : i32 to index
    %swap3A_501 = arith.constant 0 : index
    %swap3A_502 = tpu.vector_load %arg7[%swap3A_500, %swap3A_501] {strides = array<i32>} : memref<200x128xf32, #tpu.memory_space<vmem>>, vector<1x16xf32>,
    %swap3A_503 = vector.shape_cast %swap3A_502 : vector<1x16xf32> to vector<16xf32>
    %swap3A_504 = vector.shape_cast %convert_element_type3A_498 : vector<16xf32> to vector<1x16xf32>
    tpu.vector_store %arg7[%swap3A_500, %swap3A_501], %swap3A_504 {strides = array<i32>} : memref<200x128xf32, #tpu.memory_space<vmem>>, vector<1x16xf32>,
    %get3A_505 = arith.constant 199 : i32
    %get3A_506 = arith.index_cast %get3A_505 : i32 to index
    %get3A_507 = arith.constant 16 : index
    %get3A_508 = tpu.vector_load %arg6[%get3A_506, %get3A_507] {strides = array<i32>} : memref<200x128xi32, #tpu.memory_space<vmem>>, vector<1x16xi32>,
    %get3A_509 = vector.shape_cast %get3A_508 : vector<1x16xi32> to vector<16xi32>
    %min3A_510 = arith.constant 1 : i32
    %min3A_511 = vector.broadcast %min3A_510 : i32 to vector<16xi32>
    %min3A_512 = arith.minsi %get3A_509, %min3A_511 : vector<16xi32>
    %convert_element_type3A_513 = arith.sitofp %min3A_512 : vector<16xi32> to vector<16xf32>
    %swap3A_514 = arith.constant 199 : i32
    %swap3A_515 = arith.index_cast %swap3A_514 : i32 to index
    %swap3A_516 = arith.constant 16 : index
    %swap3A_517 = tpu.vector_load %arg7[%swap3A_515, %swap3A_516] {strides = array<i32>} : memref<200x128xf32, #tpu.memory_space<vmem>>, vector<1x16xf32>,
    %swap3A_518 = vector.shape_cast %swap3A_517 : vector<1x16xf32> to vector<16xf32>
    %swap3A_519 = vector.shape_cast %convert_element_type3A_513 : vector<16xf32> to vector<1x16xf32>
    tpu.vector_store %arg7[%swap3A_515, %swap3A_516], %swap3A_519 {strides = array<i32>} : memref<200x128xf32, #tpu.memory_space<vmem>>, vector<1x16xf32>,
    %get3A_520 = arith.constant 199 : i32
    %get3A_521 = arith.index_cast %get3A_520 : i32 to index
    %get3A_522 = arith.constant 32 : index
    %get3A_523 = tpu.vector_load %arg6[%get3A_521, %get3A_522] {strides = array<i32>} : memref<200x128xi32, #tpu.memory_space<vmem>>, vector<1x16xi32>,
    %get3A_524 = vector.shape_cast %get3A_523 : vector<1x16xi32> to vector<16xi32>
    %min3A_525 = arith.constant 1 : i32
    %min3A_526 = vector.broadcast %min3A_525 : i32 to vector<16xi32>
    %min3A_527 = arith.minsi %get3A_524, %min3A_526 : vector<16xi32>
    %convert_element_type3A_528 = arith.sitofp %min3A_527 : vector<16xi32> to vector<16xf32>
    %swap3A_529 = arith.constant 199 : i32
    %swap3A_530 = arith.index_cast %swap3A_529 : i32 to index
    %swap3A_531 = arith.constant 32 : index
    %swap3A_532 = tpu.vector_load %arg7[%swap3A_530, %swap3A_531] {strides = array<i32>} : memref<200x128xf32, #tpu.memory_space<vmem>>, vector<1x16xf32>,
    %swap3A_533 = vector.shape_cast %swap3A_532 : vector<1x16xf32> to vector<16xf32>
    %swap3A_534 = vector.shape_cast %convert_element_type3A_528 : vector<16xf32> to vector<1x16xf32>
    tpu.vector_store %arg7[%swap3A_530, %swap3A_531], %swap3A_534 {strides = array<i32>} : memref<200x128xf32, #tpu.memory_space<vmem>>, vector<1x16xf32>,
    %get3A_535 = arith.constant 199 : i32
    %get3A_536 = arith.index_cast %get3A_535 : i32 to index
    %get3A_537 = arith.constant 48 : index
    %get3A_538 = tpu.vector_load %arg6[%get3A_536, %get3A_537] {strides = array<i32>} : memref<200x128xi32, #tpu.memory_space<vmem>>, vector<1x16xi32>,
    %get3A_539 = vector.shape_cast %get3A_538 : vector<1x16xi32> to vector<16xi32>
    %min3A_540 = arith.constant 1 : i32
    %min3A_541 = vector.broadcast %min3A_540 : i32 to vector<16xi32>
    %min3A_542 = arith.minsi %get3A_539, %min3A_541 : vector<16xi32>
    %convert_element_type3A_543 = arith.sitofp %min3A_542 : vector<16xi32> to vector<16xf32>
    %swap3A_544 = arith.constant 199 : i32
    %swap3A_545 = arith.index_cast %swap3A_544 : i32 to index
    %swap3A_546 = arith.constant 48 : index
    %swap3A_547 = tpu.vector_load %arg7[%swap3A_545, %swap3A_546] {strides = array<i32>} : memref<200x128xf32, #tpu.memory_space<vmem>>, vector<1x16xf32>,
    %swap3A_548 = vector.shape_cast %swap3A_547 : vector<1x16xf32> to vector<16xf32>
    %swap3A_549 = vector.shape_cast %convert_element_type3A_543 : vector<16xf32> to vector<1x16xf32>
    tpu.vector_store %arg7[%swap3A_545, %swap3A_546], %swap3A_549 {strides = array<i32>} : memref<200x128xf32, #tpu.memory_space<vmem>>, vector<1x16xf32>,
    %get3A_550 = arith.constant 199 : i32
    %get3A_551 = arith.index_cast %get3A_550 : i32 to index
    %get3A_552 = arith.constant 64 : index
    %get3A_553 = tpu.vector_load %arg6[%get3A_551, %get3A_552] {strides = array<i32>} : memref<200x128xi32, #tpu.memory_space<vmem>>, vector<1x16xi32>,
    %get3A_554 = vector.shape_cast %get3A_553 : vector<1x16xi32> to vector<16xi32>
    %min3A_555 = arith.constant 1 : i32
    %min3A_556 = vector.broadcast %min3A_555 : i32 to vector<16xi32>
    %min3A_557 = arith.minsi %get3A_554, %min3A_556 : vector<16xi32>
    %convert_element_type3A_558 = arith.sitofp %min3A_557 : vector<16xi32> to vector<16xf32>
    %swap3A_559 = arith.constant 199 : i32
    %swap3A_560 = arith.index_cast %swap3A_559 : i32 to index
    %swap3A_561 = arith.constant 64 : index
    %swap3A_562 = tpu.vector_load %arg7[%swap3A_560, %swap3A_561] {strides = array<i32>} : memref<200x128xf32, #tpu.memory_space<vmem>>, vector<1x16xf32>,
    %swap3A_563 = vector.shape_cast %swap3A_562 : vector<1x16xf32> to vector<16xf32>
    %swap3A_564 = vector.shape_cast %convert_element_type3A_558 : vector<16xf32> to vector<1x16xf32>
    tpu.vector_store %arg7[%swap3A_560, %swap3A_561], %swap3A_564 {strides = array<i32>} : memref<200x128xf32, #tpu.memory_space<vmem>>, vector<1x16xf32>,
    %get3A_565 = arith.constant 199 : i32
    %get3A_566 = arith.index_cast %get3A_565 : i32 to index
    %get3A_567 = arith.constant 80 : index
    %get3A_568 = tpu.vector_load %arg6[%get3A_566, %get3A_567] {strides = array<i32>} : memref<200x128xi32, #tpu.memory_space<vmem>>, vector<1x16xi32>,
    %get3A_569 = vector.shape_cast %get3A_568 : vector<1x16xi32> to vector<16xi32>
    %min3A_570 = arith.constant 1 : i32
    %min3A_571 = vector.broadcast %min3A_570 : i32 to vector<16xi32>
    %min3A_572 = arith.minsi %get3A_569, %min3A_571 : vector<16xi32>
    %convert_element_type3A_573 = arith.sitofp %min3A_572 : vector<16xi32> to vector<16xf32>
    %swap3A_574 = arith.constant 199 : i32
    %swap3A_575 = arith.index_cast %swap3A_574 : i32 to index
    %swap3A_576 = arith.constant 80 : index
    %swap3A_577 = tpu.vector_load %arg7[%swap3A_575, %swap3A_576] {strides = array<i32>} : memref<200x128xf32, #tpu.memory_space<vmem>>, vector<1x16xf32>,
    %swap3A_578 = vector.shape_cast %swap3A_577 : vector<1x16xf32> to vector<16xf32>
    %swap3A_579 = vector.shape_cast %convert_element_type3A_573 : vector<16xf32> to vector<1x16xf32>
    tpu.vector_store %arg7[%swap3A_575, %swap3A_576], %swap3A_579 {strides = array<i32>} : memref<200x128xf32, #tpu.memory_space<vmem>>, vector<1x16xf32>,
    %get3A_580 = arith.constant 199 : i32
    %get3A_581 = arith.index_cast %get3A_580 : i32 to index
    %get3A_582 = arith.constant 96 : index
    %get3A_583 = tpu.vector_load %arg6[%get3A_581, %get3A_582] {strides = array<i32>} : memref<200x128xi32, #tpu.memory_space<vmem>>, vector<1x16xi32>,
    %get3A_584 = vector.shape_cast %get3A_583 : vector<1x16xi32> to vector<16xi32>
    %min3A_585 = arith.constant 1 : i32
    %min3A_586 = vector.broadcast %min3A_585 : i32 to vector<16xi32>
    %min3A_587 = arith.minsi %get3A_584, %min3A_586 : vector<16xi32>
    %convert_element_type3A_588 = arith.sitofp %min3A_587 : vector<16xi32> to vector<16xf32>
    %swap3A_589 = arith.constant 199 : i32
    %swap3A_590 = arith.index_cast %swap3A_589 : i32 to index
    %swap3A_591 = arith.constant 96 : index
    %swap3A_592 = tpu.vector_load %arg7[%swap3A_590, %swap3A_591] {strides = array<i32>} : memref<200x128xf32, #tpu.memory_space<vmem>>, vector<1x16xf32>,
    %swap3A_593 = vector.shape_cast %swap3A_592 : vector<1x16xf32> to vector<16xf32>
    %swap3A_594 = vector.shape_cast %convert_element_type3A_588 : vector<16xf32> to vector<1x16xf32>
    tpu.vector_store %arg7[%swap3A_590, %swap3A_591], %swap3A_594 {strides = array<i32>} : memref<200x128xf32, #tpu.memory_space<vmem>>, vector<1x16xf32>,
    %get3A_595 = arith.constant 199 : i32
    %get3A_596 = arith.index_cast %get3A_595 : i32 to index
    %get3A_597 = arith.constant 112 : index
    %get3A_598 = tpu.vector_load %arg6[%get3A_596, %get3A_597] {strides = array<i32>} : memref<200x128xi32, #tpu.memory_space<vmem>>, vector<1x16xi32>,
    %get3A_599 = vector.shape_cast %get3A_598 : vector<1x16xi32> to vector<16xi32>
    %min3A_600 = arith.constant 1 : i32
    %min3A_601 = vector.broadcast %min3A_600 : i32 to vector<16xi32>
    %min3A_602 = arith.minsi %get3A_599, %min3A_601 : vector<16xi32>
    %convert_element_type3A_603 = arith.sitofp %min3A_602 : vector<16xi32> to vector<16xf32>
    %swap3A_604 = arith.constant 199 : i32
    %swap3A_605 = arith.index_cast %swap3A_604 : i32 to index
    %swap3A_606 = arith.constant 112 : index
    %swap3A_607 = tpu.vector_load %arg7[%swap3A_605, %swap3A_606] {strides = array<i32>} : memref<200x128xf32, #tpu.memory_space<vmem>>, vector<1x16xf32>,
    %swap3A_608 = vector.shape_cast %swap3A_607 : vector<1x16xf32> to vector<16xf32>
    %swap3A_609 = vector.shape_cast %convert_element_type3A_603 : vector<16xf32> to vector<1x16xf32>
    tpu.vector_store %arg7[%swap3A_605, %swap3A_606], %swap3A_609 {strides = array<i32>} : memref<200x128xf32, #tpu.memory_space<vmem>>, vector<1x16xf32>,
    %dma_wait3A_610 = arith.constant 199 : i32
    %dma_wait3A_611 = arith.constant 3 : i32
    %dma_wait3A_612 = arith.constant 0 : i32
    %dma_wait3A_613 = arith.constant 0 : i32
    %dma_wait3A_614 = tpu.memref_slice %arg8[%dma_wait3A_611, %dma_wait3A_612, %dma_wait3A_613] : memref<4x128x128xf32, #tpu.memory_space<vmem>> -> memref<1x128x128xf32, #tpu.memory_space<vmem>>
    %dma_wait3A_615 = tpu.memref_squeeze %dma_wait3A_614 : memref<1x128x128xf32, #tpu.memory_space<vmem>> -> memref<128x128xf32, #tpu.memory_space<vmem>>
    %dma_wait3A_616 = arith.constant 0 : i32
    %dma_wait3A_617 = tpu.memref_slice %arg6[%dma_wait3A_610, %dma_wait3A_616] : memref<200x128xi32, #tpu.memory_space<vmem>> -> memref<1x128xi32, #tpu.memory_space<vmem>>
    %dma_wait3A_618 = tpu.memref_squeeze %dma_wait3A_617 : memref<1x128xi32, #tpu.memory_space<vmem>> -> memref<128xi32, #tpu.memory_space<vmem>>
    %dma_wait3A_619 = arith.constant 0 : i32
    %dma_wait3A_620 = arith.constant 0 : i32
    %dma_wait3A_621 = tpu.memref_slice %arg2[%dma_wait3A_619, %dma_wait3A_620] : memref<1000000x128xf32, #tpu.memory_space<hbm>> -> memref<1000000x128xf32, #tpu.memory_space<hbm>>
    tpu.wait_indirect_dma semaphore(%arg12 : memref<!tpu.dma_semaphore, #tpu.memory_space<semaphore_mem>>) src(%dma_wait3A_621 : memref<1000000x128xf32, #tpu.memory_space<hbm>>) dst(%dma_wait3A_615 : memref<128x128xf32, #tpu.memory_space<vmem>>)
    %add3A_622 = arith.constant 25472 : i32
    %add3A_623 = arith.addi %mul3A_2, %add3A_622 : i32
    %dma_start3A_624 = arith.constant 3 : i32
    %dma_start3A_625 = arith.constant 0 : i32
    %dma_start3A_626 = arith.constant 0 : i32
    %dma_start3A_627 = tpu.memref_slice %arg8[%dma_start3A_624, %dma_start3A_625, %dma_start3A_626] : memref<4x128x128xf32, #tpu.memory_space<vmem>> -> memref<1x128x64xf32, #tpu.memory_space<vmem>>
    %dma_start3A_628 = tpu.memref_squeeze %dma_start3A_627 : memref<1x128x64xf32, #tpu.memory_space<vmem>> -> memref<128x64xf32, #tpu.memory_space<vmem>>
    %dma_start3A_629 = arith.constant 0 : i32
    %dma_start3A_630 = tpu.memref_slice %arg4[%add3A_623, %dma_start3A_629] : memref<819200x128xf32, #tpu.memory_space<hbm>> -> memref<128x64xf32, #tpu.memory_space<hbm>>
    %dma_start3A_631 = arith.constant 0 : i32
    %dma_start3A_632 = tpu.memref_slice %arg4[%add3A_623, %dma_start3A_631] : memref<819200x128xf32, #tpu.memory_space<hbm>> -> memref<128x64xf32, #tpu.memory_space<hbm>>
    %dma_start3A_633 = arith.constant 0 : i32
    %dma_start3A_634 = arith.constant 0 : i32
    %dma_start3A_635 = tpu.memref_slice %arg8[%dma_start3A_624, %dma_start3A_633, %dma_start3A_634] : memref<4x128x128xf32, #tpu.memory_space<vmem>> -> memref<1x128x64xf32, #tpu.memory_space<vmem>>
    %dma_start3A_636 = tpu.memref_squeeze %dma_start3A_635 : memref<1x128x64xf32, #tpu.memory_space<vmem>> -> memref<128x64xf32, #tpu.memory_space<vmem>>
    tpu.enqueue_dma source(%dma_start3A_636 : memref<128x64xf32, #tpu.memory_space<vmem>>) target(%dma_start3A_632 : memref<128x64xf32, #tpu.memory_space<hbm>>) target_semaphore(%arg16 : memref<!tpu.dma_semaphore, #tpu.memory_space<semaphore_mem>>)
    %dma_start3A_637 = arith.constant 0 : i32
    %dma_start3A_638 = arith.constant 0 : i32
    %dma_start3A_639 = tpu.memref_slice %arg5[%add3A, %dma_start3A_637, %dma_start3A_638] : memref<32x200x128xf32, #tpu.memory_space<hbm>> -> memref<1x200x128xf32, #tpu.memory_space<hbm>>
    %dma_start3A_640 = tpu.memref_squeeze %dma_start3A_639 : memref<1x200x128xf32, #tpu.memory_space<hbm>> -> memref<200x128xf32, #tpu.memory_space<hbm>>
    %dma_start3A_641 = arith.constant 0 : i32
    %dma_start3A_642 = arith.constant 0 : i32
    %dma_start3A_643 = tpu.memref_slice %arg5[%add3A, %dma_start3A_641, %dma_start3A_642] : memref<32x200x128xf32, #tpu.memory_space<hbm>> -> memref<1x200x128xf32, #tpu.memory_space<hbm>>
    %dma_start3A_644 = tpu.memref_squeeze %dma_start3A_643 : memref<1x200x128xf32, #tpu.memory_space<hbm>> -> memref<200x128xf32, #tpu.memory_space<hbm>>
    tpu.enqueue_dma source(%arg7 : memref<200x128xf32, #tpu.memory_space<vmem>>) target(%dma_start3A_644 : memref<200x128xf32, #tpu.memory_space<hbm>>) target_semaphore(%arg17 : memref<!tpu.dma_semaphore, #tpu.memory_space<semaphore_mem>>)
    %add3A_645 = arith.constant 25088 : i32
    %add3A_646 = arith.addi %mul3A_2, %add3A_645 : i32
    %dma_wait3A_647 = arith.constant 0 : i32
    %dma_wait3A_648 = arith.constant 0 : i32
    %dma_wait3A_649 = arith.constant 0 : i32
    %dma_wait3A_650 = tpu.memref_slice %arg8[%dma_wait3A_647, %dma_wait3A_648, %dma_wait3A_649] : memref<4x128x128xf32, #tpu.memory_space<vmem>> -> memref<1x128x64xf32, #tpu.memory_space<vmem>>
    %dma_wait3A_651 = tpu.memref_squeeze %dma_wait3A_650 : memref<1x128x64xf32, #tpu.memory_space<vmem>> -> memref<128x64xf32, #tpu.memory_space<vmem>>
    %dma_wait3A_652 = arith.constant 0 : i32
    %dma_wait3A_653 = tpu.memref_slice %arg4[%add3A_646, %dma_wait3A_652] : memref<819200x128xf32, #tpu.memory_space<hbm>> -> memref<128x64xf32, #tpu.memory_space<hbm>>
    %dma_wait3A_654 = arith.constant 0 : i32
    %dma_wait3A_655 = tpu.memref_slice %arg4[%add3A_646, %dma_wait3A_654] : memref<819200x128xf32, #tpu.memory_space<hbm>> -> memref<128x64xf32, #tpu.memory_space<hbm>>
    %dma_wait3A_656 = arith.constant 0 : i32
    %dma_wait3A_657 = arith.constant 0 : i32
    %dma_wait3A_658 = tpu.memref_slice %arg8[%dma_wait3A_647, %dma_wait3A_656, %dma_wait3A_657] : memref<4x128x128xf32, #tpu.memory_space<vmem>> -> memref<1x128x64xf32, #tpu.memory_space<vmem>>
    %dma_wait3A_659 = tpu.memref_squeeze %dma_wait3A_658 : memref<1x128x64xf32, #tpu.memory_space<vmem>> -> memref<128x64xf32, #tpu.memory_space<vmem>>
    tpu.wait_dma2 semaphore(%arg13 : memref<!tpu.dma_semaphore, #tpu.memory_space<semaphore_mem>>) src(%dma_wait3A_659 : memref<128x64xf32, #tpu.memory_space<vmem>>) dst(%dma_wait3A_655 : memref<128x64xf32, #tpu.memory_space<hbm>>)
    %add3A_660 = arith.constant 25216 : i32
    %add3A_661 = arith.addi %mul3A_2, %add3A_660 : i32
    %dma_wait3A_662 = arith.constant 1 : i32
    %dma_wait3A_663 = arith.constant 0 : i32
    %dma_wait3A_664 = arith.constant 0 : i32
    %dma_wait3A_665 = tpu.memref_slice %arg8[%dma_wait3A_662, %dma_wait3A_663, %dma_wait3A_664] : memref<4x128x128xf32, #tpu.memory_space<vmem>> -> memref<1x128x64xf32, #tpu.memory_space<vmem>>
    %dma_wait3A_666 = tpu.memref_squeeze %dma_wait3A_665 : memref<1x128x64xf32, #tpu.memory_space<vmem>> -> memref<128x64xf32, #tpu.memory_space<vmem>>
    %dma_wait3A_667 = arith.constant 0 : i32
    %dma_wait3A_668 = tpu.memref_slice %arg4[%add3A_661, %dma_wait3A_667] : memref<819200x128xf32, #tpu.memory_space<hbm>> -> memref<128x64xf32, #tpu.memory_space<hbm>>
    %dma_wait3A_669 = arith.constant 0 : i32
    %dma_wait3A_670 = tpu.memref_slice %arg4[%add3A_661, %dma_wait3A_669] : memref<819200x128xf32, #tpu.memory_space<hbm>> -> memref<128x64xf32, #tpu.memory_space<hbm>>
    %dma_wait3A_671 = arith.constant 0 : i32
    %dma_wait3A_672 = arith.constant 0 : i32
    %dma_wait3A_673 = tpu.memref_slice %arg8[%dma_wait3A_662, %dma_wait3A_671, %dma_wait3A_672] : memref<4x128x128xf32, #tpu.memory_space<vmem>> -> memref<1x128x64xf32, #tpu.memory_space<vmem>>
    %dma_wait3A_674 = tpu.memref_squeeze %dma_wait3A_673 : memref<1x128x64xf32, #tpu.memory_space<vmem>> -> memref<128x64xf32, #tpu.memory_space<vmem>>
    tpu.wait_dma2 semaphore(%arg14 : memref<!tpu.dma_semaphore, #tpu.memory_space<semaphore_mem>>) src(%dma_wait3A_674 : memref<128x64xf32, #tpu.memory_space<vmem>>) dst(%dma_wait3A_670 : memref<128x64xf32, #tpu.memory_space<hbm>>)
    %add3A_675 = arith.constant 25344 : i32
    %add3A_676 = arith.addi %mul3A_2, %add3A_675 : i32
    %dma_wait3A_677 = arith.constant 2 : i32
    %dma_wait3A_678 = arith.constant 0 : i32
    %dma_wait3A_679 = arith.constant 0 : i32
    %dma_wait3A_680 = tpu.memref_slice %arg8[%dma_wait3A_677, %dma_wait3A_678, %dma_wait3A_679] : memref<4x128x128xf32, #tpu.memory_space<vmem>> -> memref<1x128x64xf32, #tpu.memory_space<vmem>>
    %dma_wait3A_681 = tpu.memref_squeeze %dma_wait3A_680 : memref<1x128x64xf32, #tpu.memory_space<vmem>> -> memref<128x64xf32, #tpu.memory_space<vmem>>
    %dma_wait3A_682 = arith.constant 0 : i32
    %dma_wait3A_683 = tpu.memref_slice %arg4[%add3A_676, %dma_wait3A_682] : memref<819200x128xf32, #tpu.memory_space<hbm>> -> memref<128x64xf32, #tpu.memory_space<hbm>>
    %dma_wait3A_684 = arith.constant 0 : i32
    %dma_wait3A_685 = tpu.memref_slice %arg4[%add3A_676, %dma_wait3A_684] : memref<819200x128xf32, #tpu.memory_space<hbm>> -> memref<128x64xf32, #tpu.memory_space<hbm>>
    %dma_wait3A_686 = arith.constant 0 : i32
    %dma_wait3A_687 = arith.constant 0 : i32
    %dma_wait3A_688 = tpu.memref_slice %arg8[%dma_wait3A_677, %dma_wait3A_686, %dma_wait3A_687] : memref<4x128x128xf32, #tpu.memory_space<vmem>> -> memref<1x128x64xf32, #tpu.memory_space<vmem>>
    %dma_wait3A_689 = tpu.memref_squeeze %dma_wait3A_688 : memref<1x128x64xf32, #tpu.memory_space<vmem>> -> memref<128x64xf32, #tpu.memory_space<vmem>>
    tpu.wait_dma2 semaphore(%arg15 : memref<!tpu.dma_semaphore, #tpu.memory_space<semaphore_mem>>) src(%dma_wait3A_689 : memref<128x64xf32, #tpu.memory_space<vmem>>) dst(%dma_wait3A_685 : memref<128x64xf32, #tpu.memory_space<hbm>>)
    %add3A_690 = arith.constant 25472 : i32
    %add3A_691 = arith.addi %mul3A_2, %add3A_690 : i32
    %dma_wait3A_692 = arith.constant 3 : i32
    %dma_wait3A_693 = arith.constant 0 : i32
    %dma_wait3A_694 = arith.constant 0 : i32
    %dma_wait3A_695 = tpu.memref_slice %arg8[%dma_wait3A_692, %dma_wait3A_693, %dma_wait3A_694] : memref<4x128x128xf32, #tpu.memory_space<vmem>> -> memref<1x128x64xf32, #tpu.memory_space<vmem>>
    %dma_wait3A_696 = tpu.memref_squeeze %dma_wait3A_695 : memref<1x128x64xf32, #tpu.memory_space<vmem>> -> memref<128x64xf32, #tpu.memory_space<vmem>>
    %dma_wait3A_697 = arith.constant 0 : i32
    %dma_wait3A_698 = tpu.memref_slice %arg4[%add3A_691, %dma_wait3A_697] : memref<819200x128xf32, #tpu.memory_space<hbm>> -> memref<128x64xf32, #tpu.memory_space<hbm>>
    %dma_wait3A_699 = arith.constant 0 : i32
    %dma_wait3A_700 = tpu.memref_slice %arg4[%add3A_691, %dma_wait3A_699] : memref<819200x128xf32, #tpu.memory_space<hbm>> -> memref<128x64xf32, #tpu.memory_space<hbm>>
    %dma_wait3A_701 = arith.constant 0 : i32
    %dma_wait3A_702 = arith.constant 0 : i32
    %dma_wait3A_703 = tpu.memref_slice %arg8[%dma_wait3A_692, %dma_wait3A_701, %dma_wait3A_702] : memref<4x128x128xf32, #tpu.memory_space<vmem>> -> memref<1x128x64xf32, #tpu.memory_space<vmem>>
    %dma_wait3A_704 = tpu.memref_squeeze %dma_wait3A_703 : memref<1x128x64xf32, #tpu.memory_space<vmem>> -> memref<128x64xf32, #tpu.memory_space<vmem>>
    tpu.wait_dma2 semaphore(%arg16 : memref<!tpu.dma_semaphore, #tpu.memory_space<semaphore_mem>>) src(%dma_wait3A_704 : memref<128x64xf32, #tpu.memory_space<vmem>>) dst(%dma_wait3A_700 : memref<128x64xf32, #tpu.memory_space<hbm>>)
    %dma_wait3A_705 = arith.constant 0 : i32
    %dma_wait3A_706 = arith.constant 0 : i32
    %dma_wait3A_707 = tpu.memref_slice %arg5[%add3A, %dma_wait3A_705, %dma_wait3A_706] : memref<32x200x128xf32, #tpu.memory_space<hbm>> -> memref<1x200x128xf32, #tpu.memory_space<hbm>>
    %dma_wait3A_708 = tpu.memref_squeeze %dma_wait3A_707 : memref<1x200x128xf32, #tpu.memory_space<hbm>> -> memref<200x128xf32, #tpu.memory_space<hbm>>
    %dma_wait3A_709 = arith.constant 0 : i32
    %dma_wait3A_710 = arith.constant 0 : i32
    %dma_wait3A_711 = tpu.memref_slice %arg5[%add3A, %dma_wait3A_709, %dma_wait3A_710] : memref<32x200x128xf32, #tpu.memory_space<hbm>> -> memref<1x200x128xf32, #tpu.memory_space<hbm>>
    %dma_wait3A_712 = tpu.memref_squeeze %dma_wait3A_711 : memref<1x200x128xf32, #tpu.memory_space<hbm>> -> memref<200x128xf32, #tpu.memory_space<hbm>>
    tpu.wait_dma2 semaphore(%arg17 : memref<!tpu.dma_semaphore, #tpu.memory_space<semaphore_mem>>) src(%arg7 : memref<200x128xf32, #tpu.memory_space<vmem>>) dst(%dma_wait3A_712 : memref<200x128xf32, #tpu.memory_space<hbm>>)
    return
  }
}

module attributes {stable_mosaic.version = 14 : i64} {
  func.func @body(%arg0: i32, %arg1: memref<64x2048xf32, #tpu.memory_space<vmem>>, %arg2: memref<2048x128xf32, #tpu.memory_space<vmem>>) attributes {dimension_semantics = [#tpu.dimension_semantics<arbitrary>], iteration_bounds = array<i64: 489>, scalar_prefetch = 0 : i64, scratch_operands = 0 : i64, tpu.core_type = #tpu.core_type<tc>, window_params = [{transform_indices = @transform_0, window_bounds = array<i64: 64, 2048>}, {transform_indices = @transform_1, window_bounds = array<i64: 2048, 128>}]} {
    %get3A = arith.constant 0 : index
    %get3A_0 = arith.constant 0 : index
    %get3A_1 = vector.load %arg1[%get3A, %get3A_0] : memref<64x2048xf32, #tpu.memory_space<vmem>>, vector<64x2048xf32>
    %transpose3A = tpu.transpose %get3A_1, [1, 0] : vector<64x2048xf32> -> vector<2048x64xf32>
    %swap3A = arith.constant 0 : index
    %swap3A_2 = arith.constant 0 : index
    %swap3A_3 = vector.load %arg2[%swap3A, %swap3A_2] : memref<2048x128xf32, #tpu.memory_space<vmem>>, vector<2048x64xf32>
    tpu.vector_store %arg2[%swap3A, %swap3A_2], %transpose3A {strides = array<i32>} : memref<2048x128xf32, #tpu.memory_space<vmem>>, vector<2048x64xf32>,
    return
  }
  func.func @transform_0(%arg0: i32) -> (i32, i32) {
    %c0_i32 = arith.constant 0 : i32
    %c0_i32_0 = arith.constant 0 : i32
    return %c0_i32, %arg0 : i32, i32
  }
  func.func @transform_1(%arg0: i32) -> (i32, i32) {
    %c0_i32 = arith.constant 0 : i32
    %c0_i32_0 = arith.constant 0 : i32
    return %arg0, %c0_i32 : i32, i32
  }
}

</mosaic_0001>

<sc_bundles>
// kernel: kernel.4.cloned.1.call-start
scs
__scs_entry_jumppad:
0x0: {  	(pc) =	sbr.rel $0x88, $3  }
0x1: {  	(tag) =	ssettag $0x0;
	lr =	simm.s32 $0x1  }
0x2: {  	[smem:$0x3F9F] =	sst lr;
	_ =	strace $0xD0000000  }
0x3: {  	_ = 	snop  }
0x4: {  	_ = 	snop  }
0x5: {  	_ = 	snop  }
0x6: {  	_ = 	snop  }
0x7: {  	_ = 	snop  }
__scs_overlays_trampoline_lowered:
0x8: {  	[smem:$0x3FAE] =	sst s0  }
0x9: {  	[smem:$0x3FAF] =	sst s1  }
0xa: {  	[smem:$0x3FB0] =	sst s2  }
0xb: {  	[smem:$0x3FB1] =	sst s3  }
0xc: {  	[smem:$0x3FB2] =	sst s4  }
0xd: {  	[smem:$0x3FB3] =	sst s5  }
0xe: {  	[smem:$0x3FB4] =	sst s6  }
0xf: {  	[smem:$0x3FB5] =	sst s7  }
0x10: {  	[smem:$0x3FB6] =	sst s8  }
0x11: {  	[smem:$0x3FB7] =	sst s9;
	s0 =	simm.s32 @!p0 $0x0  }
0x12: {  	s1 =	sld [smem:$0x3F9D];
	s0 =	simm.s32 @p0 $0x1  }
0x13: {  	[smem:$0x3FB8] =	sst s0;
	s0 =	simm.s32 @!p1 $0x0  }
0x14: {  	s2 =	sld [smem:$0x3F9C];
	s0 =	simm.s32 @p1 $0x1  }
0x15: {  	[smem:$0x3FB9] =	sst s0;
	s0 =	simm.s32 @!p2 $0x0  }
0x16: {  	s3 =	sld [smem:$0x3FDB];
	s0 =	simm.s32 @p2 $0x1  }
0x17: {  	s4 =	simm.s32 $0x1BF5;
	[smem:$0x3FBB] =	sst s0  }
0x18: {  	s0 =	sld [smem:$0x3F9E];
	_ =	swait.ge [sflag:s4], $0x0  }
0x19: {  	s7 =	sld [smem:$0x3F9F]  }
0x1a: {  	s8 =	sadd.s32 $0xFFFFE003, lr  }
0x1b: {  	s9 =	sadd.s32 $0xFFFFFEF7, lr;
	s5 =	simm.s32 $0xFFFFFFFF;
	p2 =	slt.u32 s8, $0xFFFFF086  }
0x1c: {  	p1 =	slt.u32 s9, $0xF7A;
	s5 =	simm.s32 @!p2 $0x0  }
0x1d: {  	s5 =	simm.s32 @p1 $0x1;
	p0 =	seq.s32 s7, s2  }
0x1e: {  	s7 =	smul.u32 @!p0 $0xF7A, s2;
	p2 =	seq.s32 @!p0 s5, $0x0  }
0x1f: {  	s9 =	smul.u32 $0xF7A, s1;
	s8 =	simm.s32 @!p0 $0x1BF5;
	p2 =	por !p2, p0  }
0x20: {  	[sflag:s8] =	ssyncset.s32 @!p0 $0xFFFFF086;
	s6 =	sadd.s32 @!p0 s3, s7;
	s7 =	simm.s32 @!p0 $0x108  }
0x21: {  	s3 =	sadd.s32 s3, s9;
	s6 =	sadd.s32 @!p0 $0x88, s6;
	s7 =	simm.s32 @p2 $0x1082  }
0x22: {  	[simem:s7], [sflag:s8] =	dma.local @!p0 [hbm:s6], $0xF7A  }
0x23: {  	s9 =	sor.u32 $0xD0000000, s2;
	s6 =	simm.s32 $0x108;
	_ =	swait.ge @!p0 [sflag:s8], $0x0  }
0x24: {  	s3 =	sadd.s32 $0x88, s3;
	s6 =	simm.s32 @!p1 $0x1082;
	[sflag:s4] =	ssyncset.s32 $0xFFFFF086  }
0x25: {  	[simem:s6], [sflag:s4] =	dma.local [hbm:s3], $0xF7A  }
0x26: {  	[smem:$0x3F9F] =	sst s1;
	(tag) =	ssettag s2;
	_ =	strace s9  }
0x27: {  	s1 =	sld [smem:$0x3FAF]  }
0x28: {  	s2 =	sld [smem:$0x3FB0]  }
0x29: {  	s4 =	sld [smem:$0x3FB2]  }
0x2a: {  	p0 =	seq.s32 s5, $0x0;
	s5 =	sld [smem:$0x3FB3]  }
0x2b: {  	s6 =	sld [smem:$0x3FB4]  }
0x2c: {  	s7 =	sld [smem:$0x3FB5]  }
0x2d: {  	s3 =	simm.s32 $0x108;
	s8 =	sld [smem:$0x3FB6]  }
0x2e: {  	s3 =	simm.s32 @!p0 $0x1082;
	s9 =	sld [smem:$0x3FB7]  }
0x2f: {  	lr =	sadd.s32 s0, s3;
	s0 =	sld [smem:$0x3FAE]  }
0x30: {  	s3 =	sld [smem:$0x3FB1]  }
0x31: {  	[smem:$0x3FBA] =	sst s10  }
0x32: {  	s10 =	sld [smem:$0x3FB8];
	_ =	sdelay $0x3  }
0x33: {  	p0 =	seq.s32 s10, $0x1;
	s10 =	sld [smem:$0x3FBA];
	_ =	sdelay $0x3  }
0x34: {  	[smem:$0x3FBA] =	sst s10  }
0x35: {  	s10 =	sld [smem:$0x3FB9];
	_ =	sdelay $0x3  }
0x36: {  	p1 =	seq.s32 s10, $0x1;
	s10 =	sld [smem:$0x3FBA];
	_ =	sdelay $0x3  }
0x37: {  	[smem:$0x3FBA] =	sst s10  }
0x38: {  	s10 =	sld [smem:$0x3FBB]  }
0x39: {  	_ = 	snop;
	(pc) =	sbr.ind lr, $3  }
0x3a: {  	_ = 	snop  }
0x3b: {  	_ = 	snop  }
0x3c: {  	p2 =	seq.s32 s10, $0x1;
	s10 =	sld [smem:$0x3FBA]  }
0x3d: {  	_ =	shalt  }
0x3e: {  	_ =	shalt  }
0x3f: {  	_ =	shalt  }
0x40: {  	_ =	shalt  }
0x41: {  	_ =	shalt  }
0x42: {  	_ =	shalt  }
0x43: {  	_ =	shalt  }
0x44: {  	_ =	shalt  }
0x45: {  	_ =	shalt  }
0x46: {  	_ =	shalt  }
0x47: {  	_ =	shalt  }
0x48: {  	_ =	shalt  }
0x49: {  	_ =	shalt  }
0x4a: {  	_ =	shalt  }
0x4b: {  	_ =	shalt  }
0x4c: {  	_ =	shalt  }
0x4d: {  	_ =	shalt  }
0x4e: {  	_ =	shalt  }
0x4f: {  	_ =	shalt  }
0x50: {  	_ =	shalt  }
0x51: {  	_ =	shalt  }
0x52: {  	_ =	shalt  }
0x53: {  	_ =	shalt  }
0x54: {  	_ =	shalt  }
0x55: {  	_ =	shalt  }
0x56: {  	_ =	shalt  }
0x57: {  	_ =	shalt  }
0x58: {  	_ =	shalt  }
0x59: {  	_ =	shalt  }
0x5a: {  	_ =	shalt  }
0x5b: {  	_ =	shalt  }
0x5c: {  	_ =	shalt  }
0x5d: {  	_ =	shalt  }
0x5e: {  	_ =	shalt  }
0x5f: {  	_ =	shalt  }
0x60: {  	_ =	shalt  }
0x61: {  	_ =	shalt  }
0x62: {  	_ =	shalt  }
0x63: {  	_ =	shalt  }
0x64: {  	_ =	shalt  }
0x65: {  	_ =	shalt  }
0x66: {  	_ =	shalt  }
0x67: {  	_ =	shalt  }
0x68: {  	_ =	shalt  }
0x69: {  	_ =	shalt  }
0x6a: {  	_ =	shalt  }
0x6b: {  	_ =	shalt  }
0x6c: {  	_ =	shalt  }
0x6d: {  	_ =	shalt  }
0x6e: {  	_ =	shalt  }
0x6f: {  	_ =	shalt  }
0x70: {  	_ =	shalt  }
0x71: {  	_ =	shalt  }
0x72: {  	_ =	shalt  }
0x73: {  	_ =	shalt  }
0x74: {  	_ =	shalt  }
0x75: {  	_ =	shalt  }
0x76: {  	_ =	shalt  }
0x77: {  	_ =	shalt  }
0x78: {  	_ =	shalt  }
0x79: {  	_ =	shalt  }
0x7a: {  	_ =	shalt  }
0x7b: {  	_ =	shalt  }
0x7c: {  	_ =	shalt  }
0x7d: {  	_ =	shalt  }
0x7e: {  	_ =	shalt  }
0x7f: {  	_ =	shalt  }
0x80: {  	_ =	shalt  }
0x81: {  	_ =	shalt  }
0x82: {  	_ =	shalt  }
0x83: {  	_ =	shalt  }
0x84: {  	_ =	shalt  }
0x85: {  	_ =	shalt  }
0x86: {  	_ =	shalt  }
0x87: {  	_ =	shalt  }
.Lfunc_end0:
.L_simem_size_0:
called_computation.1_lowered:
.L_overlay_start_0:
0x88: {  	s2 =	sld [smem:$0x3FD9]  }
0x89: {  	s3 =	sld [smem:$0x3FFE];
	_ =	sdelay $0x1  }
0x8a: {  	s1 =	srdreg.scid  }
0x8b: {  	s0 =	sand.u32 $0x1, s1  }
0x8c: {  	s14 =	sshll.u32 s0, $0xA;
	s2 =	sadd.s32 s3, s2  }
0x8d: {  	s2 =	sadd.s32 s2, s14  }
0x8e: {  	[smem:$0x3FC6] =	sst s2  }
0x8f: {  	_ = 	snop  }
0x90: {  	s2 =	sld [smem:$0x3FD0];
	_ =	sdelay $0x2  }
0x91: {  	s15 =	simm.s32 $0xA;
	s4 =	simm.s32 $0x10  }
0x92: {  	[smem:s4], [sflag:s15] =	dma.local [hbm:s2], $0x1  }
0x93: {  	_ =	swait.eq [sflag:s15], $0x1  }
0x94: {  	[sflag:s15] =	ssyncset.done $0x0  }
0x95: {  	[sflag:s15] =	ssyncadd.s32 $0xFFFFFFFF  }
0x96: {  	s16 =	sld [smem:$0x11];
	(tm) =	ssettm $0x1  }
0x97: {  	s17 =	sld [smem:$0x3FFB];
	_ =	sdelay $0x3  }
0x98: {  	_ =	strace s17  }
0x99: {  	s3 =	sld [smem:$0x3FFC];
	_ =	sdelay $0x3  }
0x9a: {  	_ =	strace s3  }
0x9b: {  	s3 =	sld [smem:$0x3FFD];
	_ =	sdelay $0x3  }
0x9c: {  	_ =	strace s3  }
0x9d: {  	_ =	strace $0x8FFFFFFF  }
0x9e: {  	s18 =	sld [smem:$0x3FDB];
	_ =	sdelay $0x1  }
0x9f: {  	s19 =	simm.s32 $_scs_section_size  }
0xa0: {  	s5 =	simm.s32 $_size__tile_overlayer_lowered;
	s6 =	simm.s32 $_tile_overlayer_lowered  }
0xa1: {  	s22 =	simm.s32 $0x1BFF;
	s21 =	sshll.u32 s6, $0x1;
	s3 =	sadd.s32 s19, s18  }
0xa2: {  	s7 =	simm.s32 $0x0;
	s20 =	sshll.u32 s5, $0x1;
	s5 =	sadd.s32 s21, s3  }
0xa3: {  	[timem:s7], [sflag:s22] =	dma.local [hbm:s5], s20  }
0xa4: {  	_ =	swait.ge [sflag:s22], s20  }
0xa5: {  	s4 =	ssub.s32 $0x0, s20;
	[sflag:s22] =	ssyncset.done $0x0  }
0xa6: {  	[sflag:s22] =	ssyncadd.s32 s4;
	_ =	sdelay $0x1  }
0xa7: {  	s23 =	simm.s32 $0x1B8B  }
0xa8: {  	_ =	swait.ge [sflag:s23], $0x1  }
0xa9: {  	[sflag:s23] =	ssyncset.done $0x0  }
0xaa: {  	s25 =	simm.s32 $0x1B8E;
	s24 =	sld [smem:$0x3FFE];
	[sflag:s23] =	ssyncadd.s32 $0xFFFFFFFF  }
0xab: {  	s26 =	simm.s32 $execute0_lowered;
	[smem:$0x3FD2] =	sst s25  }
0xac: {  	s5 =	sshll.u32 s26, $0x1;
	_ =	strace $0x80000046;
	[dreg:$0x1] =	wrdreg $0xFFFFFFFF  }
0xad: {  	s28 =	simm.s32 $_size_execute0_lowered;
	s3 =	sadd.s32 s3, s5;
	[dreg:$0x0] =	wrdreg $0x0  }
0xae: {  	s5 =	sshll.u32 s28, $0x1;
	[dreg:$0x2] =	wrdreg s3  }
0xaf: {  	[dreg:$0x3] =	wrdreg s5  }
0xb0: {  	[dreg:$0x4] =	wrdreg $0xC0  }
0xb1: {  	_ =	task [dreg:s7], $0x5FFFF  }
0xb2: {  	[dreg:$0x1] =	wrdreg $0xFFFFFFFF  }
0xb3: {  	[dreg:$0x0] =	wrdreg $0x60  }
0xb4: {  	[dreg:$0x2] =	wrdreg s24  }
0xb5: {  	[dreg:$0x3] =	wrdreg s16  }
0xb6: {  	[dreg:$0x4] =	wrdreg $0x9  }
0xb7: {  	_ =	task.clear_ibuf [dreg:s7], $0x5FFFF;
	_ =	strace $0x90000046  }
0xb8: {  	s29 =	simm.s32 $0x9;
	_ =	strace $0x80000048  }
0xb9: {  	_ =	swait.ge [sflag:s29], $0x1  }
0xba: {  	[sflag:s29] =	ssyncadd.s32 $0xFFFFFFFF  }
0xbb: {  	_ =	strace $0x90000048  }
0xbc: {  	_ =	sfence  }
0xbd: {  	s30 =	sld [smem:$0x0];
	_ =	sdelay $0x2  }
0xbe: {  	s31 =	sshll.u32 s1, $0xD;
	s1 =	sshrl.u32 s1, $0x2  }
0xbf: {  	s3 =	sand.u32 $0x4000, s31;
	s1 =	sadd.s32 s1, s30  }
0xc0: {  	s0 =	sor.u32 s3, s0;
	s1 =	sshll.u32 s1, $0x11  }
0xc1: {  	s0 =	sor.u32 s1, s0  }
0xc2: {  	s0 =	sadd.s32 $0x8F2B, s0  }
0xc3: {  	[sflag:s0] =	ssyncadd.remote.s32 $0x1  }
0xc4: {  	_ =	sfence.sel $0xFFFF  }
0xc5: {  	[dreg:$0x0] =	wrdreg $0xFFFFFFFF;
	(pc) =	sbr.abs _section_cstart, $3  }
0xc6: {  	[dreg:$0x1] =	wrdreg $0xFFFFFFFF  }
0xc7: {  	_ =	task.clear_ibuf [dreg:s7], $0x2FFFF;
	_ =	strace $0x9FFFFFFF  }
0xc8: {  	(tm) =	ssettm $0x7FFFFFFF  }
0xc9: {  	_ =	shalt  }
tec
execute0_lowered:
.L_overlay_start_1:
0x0: {  	(tag) =	ssettag $0x1  }
0x1: {  	s0 =	rddreg [dreg:$0x0]  }
0x2: {  	s1 =	rddreg [dreg:$0x1]  }
0x3: {  	s3 =	srdreg.scid;
	s4 =	stileid.u32  }
0x4: {  	s2 =	simm.s32 $0x0;
	s14 =	simm.s32 $0x80;
	s15 =	simm.s32 $0x10800  }
0x5: {  	s17 =	simm.s32 $0x14800;
	s18 =	simm.s32 $0x1;
	s20 =	simm.s32 $0x18800  }
0x6: {  	s21 =	simm.s32 $0x2;
	s22 =	simm.s32 $0x5;
	s23 =	simm.s32 $0xC800  }
0x7: {  	s24 =	simm.s32 $0x3;
	s6 =	sand.u32 $0x1, s3;
	s26 =	sshll.u32 s4, $0x1  }
0x8: {  	s25 =	simm.s32 $0x6;
	s28 =	simm.s32 $0x7;
	s7 =	sor.u32 s6, s26  }
0x9: {  	s29 =	simm.s32 $0x8;
	[smem:$0x7FF] =	sst s2;
	s4 =	smul.u32 $0x6400, s7  }
0xa: {  	s3 =	sadd.s32 $0xE00, s0;
	s6 =	ssub.s32 $0x2, s6;
	s8 =	smul.u32 $0x320000, s7  }
0xb: {  	s5 =	sadd.s32 $0xF5C200, s0;
	s10 =	sshrl.u32 s6, $0x1;
	s7 =	smul.u32 $0x64000, s7  }
0xc: {  	_ =	strace $0x80000047;
	s26 =	simm.s32 $0x4;
	s6 =	ssub.s32 s6, s10  }
0xd: {  	s9 =	sshrl.u32 s4, $0x3;
	s8 =	sshrl.u32 s8, $0x3;
	s7 =	sadd.s32 s5, s7  }
0xe: {  	s31 =	smax.u32 s6, $0x1;
	s0 =	sadd.s32 s9, s0;
	s1 =	sadd.s32 s1, s9  }
0xf: {  	s30 =	sadd.s32 s5, s8;
	s8 =	sadd.s32 $0x800, s7;
	[dreg:$0x5] =	wrdreg s31  }
0x10: {  	[dreg:$0x3] =	wrdreg s1;
	s9 =	sadd.s32 $0x63000, s30;
	s0 =	sadd.s32 $0xF43200, s0  }
0x11: {  	s10 =	sadd.s32 $0x63800, s30;
	[dreg:$0x4] =	wrdreg s0;
	s0 =	simm.s32 $0x0  }
.LBB2_1:
0x12: {  	s1 =	rddreg [dreg:$0x3];
	s30 =	simm.s32 $0xA  }
0x13: {  	[tilespmem:s2], [sflag:$0xA] =	stream.linear.gather [hbm4b:s1+s2], $0x6400, $0x38;
	[tilespmem:$0x1C800] =	vst v63  }
0x14: {  	_ =	swait.ge [sflag:s30], $0x6400  }
0x15: {  	[sflag:s30] =	ssyncset.done $0x0  }
0x16: {  	[sflag:s30] =	ssyncadd.s32 $0xFFFF9C00  }
0x17: {  	[tilespmem:s23], [sflag:$0x1] =	stream.indirect.gather [hbm4b:s3+s14], $0x80, s2, s14, $0xb8;
	[tilespmem:$0x1C800] =	vst v63  }
0x18: {  	_ = 	snop  }
0x19: {  	[tilespmem:s15], [sflag:$0x2] =	stream.indirect.gather [hbm4b:s3+s14], $0x80, s14, s14, $0xb8;
	[tilespmem:$0x1C800] =	vst v63  }
0x1a: {  	s31 =	simm.s32 $0x100  }
0x1b: {  	[tilespmem:s17], [sflag:$0x3] =	stream.indirect.gather [hbm4b:s3+s14], $0x80, s31, s14, $0xb8;
	[tilespmem:$0x1C800] =	vst v63  }
0x1c: {  	v0 =	vld [tilespmem:$0x0]  }
0x1d: {  	v1 =	vld [tilespmem:$0x10]  }
0x1e: {  	v2 =	vld [tilespmem:$0x20]  }
0x1f: {  	v3 =	vld [tilespmem:$0x30]  }
0x20: {  	v4 =	vld [tilespmem:$0x40]  }
0x21: {  	v5 =	vld [tilespmem:$0x50];
	vm0 =	vlt.s32 v0, $0x1  }
0x22: {  	v6 =	vld [tilespmem:$0x60];
	vm9 =	vlt.s32 v1, $0x1;
	v0 =	vnsel vm0, $0x1, v0  }
0x23: {  	v7 =	vld [tilespmem:$0x70];
	vm10 =	vlt.s32 v2, $0x1;
	v1 =	vnsel vm9, $0x1, v1;
	v0 =	vcvt.s32.f32 v0  }
0x24: {  	vm11 =	vlt.s32 v3, $0x1;
	v2 =	vnsel vm10, $0x1, v2;
	v1 =	vcvt.s32.f32 v1  }
0x25: {  	vm12 =	vlt.s32 v4, $0x1;
	v56 =	vnsel vm11, $0x1, v3;
	v55 =	vcvt.s32.f32 v2;
	[tilespmem:$0x6400] =	vst v0  }
0x26: {  	vm13 =	vlt.s32 v5, $0x1;
	v58 =	vnsel vm12, $0x1, v4;
	v57 =	vcvt.s32.f32 v56;
	[tilespmem:$0x6410] =	vst v1  }
0x27: {  	vm14 =	vlt.s32 v6, $0x1;
	v60 =	vnsel vm13, $0x1, v5;
	v59 =	vcvt.s32.f32 v58;
	[tilespmem:$0x6420] =	vst v55  }
0x28: {  	vm15 =	vlt.s32 v7, $0x1;
	v62 =	vnsel vm14, $0x1, v6;
	v61 =	vcvt.s32.f32 v60;
	[tilespmem:$0x6430] =	vst v57  }
0x29: {  	v63 =	vnsel vm15, $0x1, v7;
	v2 =	vcvt.s32.f32 v62;
	[tilespmem:$0x6440] =	vst v59  }
0x2a: {  	[tilespmem:$0x6450] =	vst v61;
	v0 =	vcvt.s32.f32 v63  }
0x2b: {  	[tilespmem:$0x6460] =	vst v2  }
0x2c: {  	[tilespmem:$0x6470] =	vst v0  }
0x2d: {  	_ =	swait.ge [sflag:s18], $0x4000  }
0x2e: {  	s12 =	sadd.s32 $0x0, s7;
	s6 =	simm.s32 $0xC880;
	[sflag:s18] =	ssyncset.done $0x0  }
0x2f: {  	s11 =	simm.s32 $0xC800;
	s1 =	simm.s32 $0x10;
	[sflag:s18] =	ssyncadd.s32 $0xFFFFC000  }
.LBB2_2:
0x30: {  	[hbm4b:s12+s2] =	stream.linear.scatter [tilespmem:s11], [sflag:$0x5], $0x40, $0x38;
	[tilespmem:$0x1C800] =	vst v63  }
0x31: {  	s12 =	smov.u32 s1;
	s11 =	smov.u32 s6;
	p0 =	sne.s32 s1, $0x7F0  }
.Ltmp0:
0x32: {  	s1 =	sadd.s32 $0x10, s1;
	(pc) =	sbr.rel @p0 .LBB2_2-.Ltmp0, $2  }
0x33: {  	_ =	sdelay $0x2  }
0x34: {  	s6 =	sadd.s32 $0x80, s6;
	s12 =	sadd.s32 s12, s7  }
0x35: {  	[hbm4b:s12+s2] =	stream.linear.scatter [tilespmem:s11], [sflag:$0x5], $0x40, $0x38;
	[tilespmem:$0x1C800] =	vst v63  }
0x36: {  	s1 =	simm.s32 $0x180  }
0x37: {  	[tilespmem:s20], [sflag:$0x4] =	stream.indirect.gather [hbm4b:s3+s14], $0x80, s1, s14, $0xb8;
	[tilespmem:$0x1C800] =	vst v63  }
0x38: {  	v0 =	vld [tilespmem:$0x80]  }
0x39: {  	v1 =	vld [tilespmem:$0x90]  }
0x3a: {  	v2 =	vld [tilespmem:$0xA0]  }
0x3b: {  	v3 =	vld [tilespmem:$0xB0]  }
0x3c: {  	v4 =	vld [tilespmem:$0xC0]  }
0x3d: {  	v5 =	vld [tilespmem:$0xD0];
	vm0 =	vlt.s32 v0, $0x1  }
0x3e: {  	v6 =	vld [tilespmem:$0xE0];
	vm9 =	vlt.s32 v1, $0x1;
	v0 =	vnsel vm0, $0x1, v0  }
0x3f: {  	v7 =	vld [tilespmem:$0xF0];
	vm10 =	vlt.s32 v2, $0x1;
	v1 =	vnsel vm9, $0x1, v1;
	v0 =	vcvt.s32.f32 v0  }
0x40: {  	vm11 =	vlt.s32 v3, $0x1;
	v2 =	vnsel vm10, $0x1, v2;
	v1 =	vcvt.s32.f32 v1  }
0x41: {  	vm12 =	vlt.s32 v4, $0x1;
	v56 =	vnsel vm11, $0x1, v3;
	v55 =	vcvt.s32.f32 v2;
	[tilespmem:$0x6480] =	vst v0  }
0x42: {  	vm13 =	vlt.s32 v5, $0x1;
	v58 =	vnsel vm12, $0x1, v4;
	v57 =	vcvt.s32.f32 v56;
	[tilespmem:$0x6490] =	vst v1  }
0x43: {  	vm14 =	vlt.s32 v6, $0x1;
	v60 =	vnsel vm13, $0x1, v5;
	v59 =	vcvt.s32.f32 v58;
	[tilespmem:$0x64A0] =	vst v55  }
0x44: {  	vm15 =	vlt.s32 v7, $0x1;
	v62 =	vnsel vm14, $0x1, v6;
	v61 =	vcvt.s32.f32 v60;
	[tilespmem:$0x64B0] =	vst v57  }
0x45: {  	v63 =	vnsel vm15, $0x1, v7;
	v2 =	vcvt.s32.f32 v62;
	[tilespmem:$0x64C0] =	vst v59  }
0x46: {  	[tilespmem:$0x64D0] =	vst v61;
	v0 =	vcvt.s32.f32 v63  }
0x47: {  	[tilespmem:$0x64E0] =	vst v2  }
0x48: {  	[tilespmem:$0x64F0] =	vst v0  }
0x49: {  	s6 =	simm.s32 $0x10800;
	_ =	swait.ge [sflag:s21], $0x4000  }
0x4a: {  	s11 =	simm.s32 $0x10;
	s13 =	sadd.s32 $0x0, s8;
	[sflag:s21] =	ssyncset.done $0x0  }
0x4b: {  	s12 =	simm.s32 $0x10880;
	s1 =	simm.s32 $0x0;
	[sflag:s21] =	ssyncadd.s32 $0xFFFFC000  }
.LBB2_4:
0x4c: {  	[hbm4b:s13+s1] =	stream.linear.scatter [tilespmem:s6], [sflag:$0x6], $0x40, $0x38;
	[tilespmem:$0x1C800] =	vst v63  }
0x4d: {  	s13 =	smov.u32 s11;
	s6 =	smov.u32 s12;
	p0 =	sne.s32 s11, $0x7F0  }
.Ltmp1:
0x4e: {  	s11 =	sadd.s32 $0x10, s11;
	(pc) =	sbr.rel @p0 .LBB2_4-.Ltmp1, $2  }
0x4f: {  	_ =	sdelay $0x2  }
0x50: {  	s12 =	sadd.s32 $0x80, s12;
	s13 =	sadd.s32 s13, s8  }
0x51: {  	[hbm4b:s13+s1] =	stream.linear.scatter [tilespmem:s6], [sflag:$0x6], $0x40, $0x38;
	[tilespmem:$0x1C800] =	vst v63  }
.LBB2_6:
0x52: {  	_ =	swait.ge [sflag:s22], $0x2000  }
0x53: {  	s16 =	sshll.u32 s1, $0x9;
	[sflag:s22] =	ssyncset.done $0x0  }
0x54: {  	s19 =	sadd.s32 $0x200, s16;
	[sflag:s22] =	ssyncadd.s32 $0xFFFFE000  }
0x55: {  	[tilespmem:s23], [sflag:$0x1] =	stream.indirect.gather [hbm4b:s3+s14], $0x80, s19, s14, $0xb8;
	[tilespmem:$0x1C800] =	vst v63  }
0x56: {  	v0 =	vld [tilespmem:s16+$0x100]  }
0x57: {  	v1 =	vld [tilespmem:s16+$0x110]  }
0x58: {  	v2 =	vld [tilespmem:s16+$0x120]  }
0x59: {  	v3 =	vld [tilespmem:s16+$0x130]  }
0x5a: {  	v4 =	vld [tilespmem:s16+$0x140]  }
0x5b: {  	v5 =	vld [tilespmem:s16+$0x150];
	vm0 =	vlt.s32 v0, $0x1  }
0x5c: {  	v6 =	vld [tilespmem:s16+$0x160];
	vm9 =	vlt.s32 v1, $0x1;
	v0 =	vnsel vm0, $0x1, v0  }
0x5d: {  	v7 =	vld [tilespmem:s16+$0x170];
	vm10 =	vlt.s32 v2, $0x1;
	v1 =	vnsel vm9, $0x1, v1;
	v0 =	vcvt.s32.f32 v0  }
0x5e: {  	vm11 =	vlt.s32 v3, $0x1;
	v2 =	vnsel vm10, $0x1, v2;
	v1 =	vcvt.s32.f32 v1  }
0x5f: {  	vm12 =	vlt.s32 v4, $0x1;
	v56 =	vnsel vm11, $0x1, v3;
	v55 =	vcvt.s32.f32 v2;
	[tilespmem:s16+$0x6500] =	vst v0  }
0x60: {  	vm13 =	vlt.s32 v5, $0x1;
	v58 =	vnsel vm12, $0x1, v4;
	v57 =	vcvt.s32.f32 v56;
	[tilespmem:s16+$0x6510] =	vst v1  }
0x61: {  	vm14 =	vlt.s32 v6, $0x1;
	v60 =	vnsel vm13, $0x1, v5;
	v59 =	vcvt.s32.f32 v58;
	[tilespmem:s16+$0x6520] =	vst v55  }
0x62: {  	vm15 =	vlt.s32 v7, $0x1;
	v62 =	vnsel vm14, $0x1, v6;
	v61 =	vcvt.s32.f32 v60;
	[tilespmem:s16+$0x6530] =	vst v57  }
0x63: {  	v63 =	vnsel vm15, $0x1, v7;
	v2 =	vcvt.s32.f32 v62;
	[tilespmem:s16+$0x6540] =	vst v59  }
0x64: {  	s6 =	sor.u32 $0x100, s16;
	[tilespmem:s16+$0x6550] =	vst v61;
	v0 =	vcvt.s32.f32 v63  }
0x65: {  	s6 =	sadd.s32 s4, s6;
	[tilespmem:s16+$0x6560] =	vst v2  }
0x66: {  	s6 =	sshll.u32 s6, $0x4;
	[tilespmem:s16+$0x6570] =	vst v0  }
0x67: {  	s30 =	simm.s32 $0x14800;
	s6 =	sand.u32 $0x1FFFF000, s6;
	_ =	swait.ge [sflag:s24], $0x4000  }
0x68: {  	s11 =	simm.s32 $0x10;
	s6 =	sadd.s32 s5, s6;
	[sflag:s24] =	ssyncset.done $0x0  }
0x69: {  	s12 =	simm.s32 $0x14880;
	s13 =	sadd.s32 $0x0, s6;
	[sflag:s24] =	ssyncadd.s32 $0xFFFFC000  }
.LBB2_7:
0x6a: {  	[hbm4b:s13+s2] =	stream.linear.scatter [tilespmem:s30], [sflag:$0x7], $0x40, $0x38;
	[tilespmem:$0x1C800] =	vst v63  }
0x6b: {  	s13 =	smov.u32 s11;
	s30 =	smov.u32 s12;
	p0 =	sne.s32 s11, $0x7F0  }
.Ltmp2:
0x6c: {  	s11 =	sadd.s32 $0x10, s11;
	(pc) =	sbr.rel @p0 .LBB2_7-.Ltmp2, $2  }
0x6d: {  	_ =	sdelay $0x2  }
0x6e: {  	s12 =	sadd.s32 $0x80, s12;
	s13 =	sadd.s32 s13, s6  }
0x6f: {  	[hbm4b:s13+s2] =	stream.linear.scatter [tilespmem:s30], [sflag:$0x7], $0x40, $0x38;
	[tilespmem:$0x1C800] =	vst v63  }
0x70: {  	_ =	swait.ge [sflag:s25], $0x2000  }
0x71: {  	[sflag:s25] =	ssyncset.done $0x0  }
0x72: {  	s30 =	sadd.s32 $0x280, s16;
	s6 =	sor.u32 $0x180, s16;
	[sflag:s25] =	ssyncadd.s32 $0xFFFFE000  }
0x73: {  	[tilespmem:s15], [sflag:$0x2] =	stream.indirect.gather [hbm4b:s3+s14], $0x80, s30, s14, $0xb8;
	[tilespmem:$0x1C800] =	vst v63  }
0x74: {  	v0 =	vld [tilespmem:s6+$0x0];
	_ =	sdelay $0x4  }
0x75: {  	vm0 =	vlt.s32 v0, $0x1  }
0x76: {  	v0 =	vnsel vm0, $0x1, v0  }
0x77: {  	v0 =	vcvt.s32.f32 v0;
	_ =	sdelay $0x1  }
0x78: {  	s11 =	sor.u32 $0x190, s16;
	[tilespmem:s16+$0x6580] =	vst v0  }
0x79: {  	v0 =	vld [tilespmem:s11+$0x0];
	_ =	sdelay $0x4  }
0x7a: {  	vm9 =	vlt.s32 v0, $0x1  }
0x7b: {  	v0 =	vnsel vm9, $0x1, v0  }
0x7c: {  	v0 =	vcvt.s32.f32 v0;
	_ =	sdelay $0x1  }
0x7d: {  	s12 =	sor.u32 $0x1A0, s16;
	[tilespmem:s16+$0x6590] =	vst v0  }
0x7e: {  	v0 =	vld [tilespmem:s12+$0x0];
	_ =	sdelay $0x4  }
0x7f: {  	vm10 =	vlt.s32 v0, $0x1  }
0x80: {  	v0 =	vnsel vm10, $0x1, v0  }
0x81: {  	v0 =	vcvt.s32.f32 v0;
	_ =	sdelay $0x1  }
0x82: {  	s13 =	sor.u32 $0x1B0, s16;
	[tilespmem:s16+$0x65A0] =	vst v0  }
0x83: {  	v0 =	vld [tilespmem:s13+$0x0];
	_ =	sdelay $0x4  }
0x84: {  	vm11 =	vlt.s32 v0, $0x1  }
0x85: {  	v0 =	vnsel vm11, $0x1, v0  }
0x86: {  	v0 =	vcvt.s32.f32 v0;
	_ =	sdelay $0x1  }
0x87: {  	s12 =	sor.u32 $0x1C0, s16;
	[tilespmem:s16+$0x65B0] =	vst v0  }
0x88: {  	v0 =	vld [tilespmem:s12+$0x0];
	_ =	sdelay $0x4  }
0x89: {  	vm12 =	vlt.s32 v0, $0x1  }
0x8a: {  	v0 =	vnsel vm12, $0x1, v0  }
0x8b: {  	v0 =	vcvt.s32.f32 v0;
	_ =	sdelay $0x1  }
0x8c: {  	s13 =	sor.u32 $0x1D0, s16;
	[tilespmem:s16+$0x65C0] =	vst v0  }
0x8d: {  	v0 =	vld [tilespmem:s13+$0x0];
	_ =	sdelay $0x4  }
0x8e: {  	vm13 =	vlt.s32 v0, $0x1  }
0x8f: {  	v0 =	vnsel vm13, $0x1, v0  }
0x90: {  	v0 =	vcvt.s32.f32 v0;
	_ =	sdelay $0x1  }
0x91: {  	s12 =	sor.u32 $0x1E0, s16;
	[tilespmem:s16+$0x65D0] =	vst v0  }
0x92: {  	v0 =	vld [tilespmem:s12+$0x0];
	_ =	sdelay $0x4  }
0x93: {  	vm14 =	vlt.s32 v0, $0x1  }
0x94: {  	v0 =	vnsel vm14, $0x1, v0  }
0x95: {  	v0 =	vcvt.s32.f32 v0;
	_ =	sdelay $0x1  }
0x96: {  	s13 =	sor.u32 $0x1F0, s16;
	[tilespmem:s16+$0x65E0] =	vst v0  }
0x97: {  	v0 =	vld [tilespmem:s13+$0x0];
	_ =	sdelay $0x4  }
0x98: {  	vm15 =	vlt.s32 v0, $0x1  }
0x99: {  	v0 =	vnsel vm15, $0x1, v0  }
0x9a: {  	s6 =	sadd.s32 s4, s6;
	v0 =	vcvt.s32.f32 v0  }
0x9b: {  	s6 =	sshll.u32 s6, $0x4  }
0x9c: {  	s6 =	sand.u32 $0x1FFFF800, s6;
	[tilespmem:s16+$0x65F0] =	vst v0  }
0x9d: {  	s6 =	sadd.s32 s5, s6;
	_ =	swait.ge [sflag:s26], $0x4000  }
0x9e: {  	s31 =	sadd.s32 $0x0, s6;
	s11 =	simm.s32 $0x18800;
	[sflag:s26] =	ssyncset.done $0x0  }
0x9f: {  	s12 =	simm.s32 $0x10;
	s13 =	simm.s32 $0x18880;
	[sflag:s26] =	ssyncadd.s32 $0xFFFFC000  }
.LBB2_9:
0xa0: {  	[hbm4b:s31+s2] =	stream.linear.scatter [tilespmem:s11], [sflag:$0x8], $0x40, $0x38;
	[tilespmem:$0x1C800] =	vst v63  }
0xa1: {  	s31 =	smov.u32 s12;
	s11 =	smov.u32 s13;
	p0 =	sne.s32 s12, $0x7F0  }
.Ltmp3:
0xa2: {  	s12 =	sadd.s32 $0x10, s12;
	(pc) =	sbr.rel @p0 .LBB2_9-.Ltmp3, $2  }
0xa3: {  	_ =	sdelay $0x2  }
0xa4: {  	s13 =	sadd.s32 $0x80, s13;
	s31 =	sadd.s32 s31, s6  }
0xa5: {  	[hbm4b:s31+s2] =	stream.linear.scatter [tilespmem:s11], [sflag:$0x8], $0x40, $0x38;
	[tilespmem:$0x1C800] =	vst v63  }
0xa6: {  	_ =	swait.ge [sflag:s28], $0x2000  }
0xa7: {  	s6 =	sand.u32 $0x3FFFFE00, s16;
	[sflag:s28] =	ssyncset.done $0x0  }
0xa8: {  	s13 =	sadd.s32 $0x300, s6;
	[sflag:s28] =	ssyncadd.s32 $0xFFFFE000  }
0xa9: {  	[tilespmem:s17], [sflag:$0x3] =	stream.indirect.gather [hbm4b:s3+s14], $0x80, s13, s14, $0xb8;
	[tilespmem:$0x1C800] =	vst v63  }
0xaa: {  	v0 =	vld [tilespmem:s16+$0x200];
	_ =	sdelay $0x4  }
0xab: {  	vm0 =	vlt.s32 v0, $0x1  }
0xac: {  	v0 =	vnsel vm0, $0x1, v0  }
0xad: {  	v0 =	vcvt.s32.f32 v0;
	_ =	sdelay $0x1  }
0xae: {  	[tilespmem:s19+$0x6400] =	vst v0  }
0xaf: {  	v0 =	vld [tilespmem:s16+$0x210]  }
0xb0: {  	v1 =	vld [tilespmem:s16+$0x220]  }
0xb1: {  	v2 =	vld [tilespmem:s16+$0x230]  }
0xb2: {  	v3 =	vld [tilespmem:s16+$0x240]  }
0xb3: {  	v4 =	vld [tilespmem:s16+$0x250]  }
0xb4: {  	v5 =	vld [tilespmem:s16+$0x260];
	vm9 =	vlt.s32 v0, $0x1  }
0xb5: {  	v6 =	vld [tilespmem:s16+$0x270];
	vm10 =	vlt.s32 v1, $0x1;
	v0 =	vnsel vm9, $0x1, v0  }
0xb6: {  	vm11 =	vlt.s32 v2, $0x1;
	v1 =	vnsel vm10, $0x1, v1;
	v0 =	vcvt.s32.f32 v0  }
0xb7: {  	vm12 =	vlt.s32 v3, $0x1;
	v2 =	vnsel vm11, $0x1, v2;
	v1 =	vcvt.s32.f32 v1  }
0xb8: {  	vm13 =	vlt.s32 v4, $0x1;
	v57 =	vnsel vm12, $0x1, v3;
	v56 =	vcvt.s32.f32 v2;
	[tilespmem:s16+$0x6610] =	vst v0  }
0xb9: {  	vm14 =	vlt.s32 v5, $0x1;
	v59 =	vnsel vm13, $0x1, v4;
	v58 =	vcvt.s32.f32 v57;
	[tilespmem:s16+$0x6620] =	vst v1  }
0xba: {  	vm15 =	vlt.s32 v6, $0x1;
	v61 =	vnsel vm14, $0x1, v5;
	v60 =	vcvt.s32.f32 v59;
	[tilespmem:s16+$0x6630] =	vst v56  }
0xbb: {  	v62 =	vnsel vm15, $0x1, v6;
	v2 =	vcvt.s32.f32 v61;
	[tilespmem:s16+$0x6640] =	vst v58  }
0xbc: {  	v63 =	vcvt.s32.f32 v62;
	[tilespmem:s16+$0x6650] =	vst v60  }
0xbd: {  	s19 =	sadd.s32 s4, s19;
	[tilespmem:s16+$0x6660] =	vst v2  }
0xbe: {  	s11 =	sshll.u32 s19, $0x4;
	[tilespmem:s16+$0x6670] =	vst v63  }
0xbf: {  	s12 =	simm.s32 $0x10;
	s11 =	sand.u32 $0x1FFFE000, s11;
	_ =	swait.ge [sflag:s18], $0x4000  }
0xc0: {  	s13 =	simm.s32 $0xC880;
	s19 =	sadd.s32 s5, s11;
	[sflag:s18] =	ssyncset.done $0x0  }
0xc1: {  	s11 =	simm.s32 $0xC800;
	s31 =	sadd.s32 $0x0, s19;
	[sflag:s18] =	ssyncadd.s32 $0xFFFFC000  }
.LBB2_11:
0xc2: {  	[hbm4b:s31+s2] =	stream.linear.scatter [tilespmem:s11], [sflag:$0x5], $0x40, $0x38;
	[tilespmem:$0x1C800] =	vst v63  }
0xc3: {  	s31 =	smov.u32 s12;
	s11 =	smov.u32 s13;
	p0 =	sne.s32 s12, $0x7F0  }
.Ltmp4:
0xc4: {  	s12 =	sadd.s32 $0x10, s12;
	(pc) =	sbr.rel @p0 .LBB2_11-.Ltmp4, $2  }
0xc5: {  	_ =	sdelay $0x2  }
0xc6: {  	s13 =	sadd.s32 $0x80, s13;
	s31 =	sadd.s32 s31, s19  }
0xc7: {  	[hbm4b:s31+s2] =	stream.linear.scatter [tilespmem:s11], [sflag:$0x5], $0x40, $0x38;
	[tilespmem:$0x1C800] =	vst v63  }
0xc8: {  	_ =	swait.ge [sflag:s29], $0x2000  }
0xc9: {  	[sflag:s29] =	ssyncset.done $0x0  }
0xca: {  	s6 =	sadd.s32 $0x380, s6;
	[sflag:s29] =	ssyncadd.s32 $0xFFFFE000  }
0xcb: {  	[tilespmem:s20], [sflag:$0x4] =	stream.indirect.gather [hbm4b:s3+s14], $0x80, s6, s14, $0xb8;
	[tilespmem:$0x1C800] =	vst v63  }
0xcc: {  	v0 =	vld [tilespmem:s16+$0x280];
	_ =	sdelay $0x4  }
0xcd: {  	vm0 =	vlt.s32 v0, $0x1  }
0xce: {  	v0 =	vnsel vm0, $0x1, v0  }
0xcf: {  	v0 =	vcvt.s32.f32 v0;
	_ =	sdelay $0x1  }
0xd0: {  	[tilespmem:s30+$0x6400] =	vst v0  }
0xd1: {  	v0 =	vld [tilespmem:s16+$0x290]  }
0xd2: {  	v1 =	vld [tilespmem:s16+$0x2A0]  }
0xd3: {  	v2 =	vld [tilespmem:s16+$0x2B0]  }
0xd4: {  	v3 =	vld [tilespmem:s16+$0x2C0]  }
0xd5: {  	v4 =	vld [tilespmem:s16+$0x2D0]  }
0xd6: {  	v5 =	vld [tilespmem:s16+$0x2E0];
	vm9 =	vlt.s32 v0, $0x1  }
0xd7: {  	v6 =	vld [tilespmem:s16+$0x2F0];
	vm10 =	vlt.s32 v1, $0x1;
	v0 =	vnsel vm9, $0x1, v0  }
0xd8: {  	vm11 =	vlt.s32 v2, $0x1;
	v1 =	vnsel vm10, $0x1, v1;
	v0 =	vcvt.s32.f32 v0  }
0xd9: {  	vm12 =	vlt.s32 v3, $0x1;
	v2 =	vnsel vm11, $0x1, v2;
	v1 =	vcvt.s32.f32 v1  }
0xda: {  	vm13 =	vlt.s32 v4, $0x1;
	v57 =	vnsel vm12, $0x1, v3;
	v56 =	vcvt.s32.f32 v2;
	[tilespmem:s16+$0x6690] =	vst v0  }
0xdb: {  	vm14 =	vlt.s32 v5, $0x1;
	v59 =	vnsel vm13, $0x1, v4;
	v58 =	vcvt.s32.f32 v57;
	[tilespmem:s16+$0x66A0] =	vst v1  }
0xdc: {  	vm15 =	vlt.s32 v6, $0x1;
	v61 =	vnsel vm14, $0x1, v5;
	v60 =	vcvt.s32.f32 v59;
	[tilespmem:s16+$0x66B0] =	vst v56  }
0xdd: {  	v62 =	vnsel vm15, $0x1, v6;
	v2 =	vcvt.s32.f32 v61;
	[tilespmem:s16+$0x66C0] =	vst v58  }
0xde: {  	v63 =	vcvt.s32.f32 v62;
	[tilespmem:s16+$0x66D0] =	vst v60  }
0xdf: {  	s31 =	sadd.s32 s4, s30;
	[tilespmem:s16+$0x66E0] =	vst v2  }
0xe0: {  	s6 =	sshll.u32 s31, $0x4;
	[tilespmem:s16+$0x66F0] =	vst v63  }
0xe1: {  	s11 =	simm.s32 $0x10800;
	s6 =	sand.u32 $0x1FFFE800, s6;
	_ =	swait.ge [sflag:s21], $0x4000  }
0xe2: {  	s12 =	simm.s32 $0x10;
	s6 =	sadd.s32 s5, s6;
	[sflag:s21] =	ssyncset.done $0x0  }
0xe3: {  	s13 =	simm.s32 $0x10880;
	s16 =	sadd.s32 $0x0, s6;
	[sflag:s21] =	ssyncadd.s32 $0xFFFFC000  }
.LBB2_13:
0xe4: {  	[hbm4b:s16+s2] =	stream.linear.scatter [tilespmem:s11], [sflag:$0x6], $0x40, $0x38;
	[tilespmem:$0x1C800] =	vst v63  }
0xe5: {  	s16 =	smov.u32 s12;
	s11 =	smov.u32 s13;
	p0 =	sne.s32 s12, $0x7F0  }
.Ltmp5:
0xe6: {  	s12 =	sadd.s32 $0x10, s12;
	(pc) =	sbr.rel @p0 .LBB2_13-.Ltmp5, $2  }
0xe7: {  	_ =	sdelay $0x2  }
0xe8: {  	s13 =	sadd.s32 $0x80, s13;
	s16 =	sadd.s32 s16, s6  }
0xe9: {  	s1 =	sadd.s32 $0x1, s1  }
0xea: {  	p0 =	sne.s32 s1, $0x31  }
.Ltmp6:
0xeb: {  	_ = 	snop;
	(pc) =	sbr.rel @p0 .LBB2_6-.Ltmp6, $2  }
0xec: {  	_ =	sdelay $0x2  }
0xed: {  	[hbm4b:s16+s2] =	stream.linear.scatter [tilespmem:s11], [sflag:$0x6], $0x40, $0x38;
	[tilespmem:$0x1C800] =	vst v63  }
0xee: {  	v0 =	vld [tilespmem:$0x6300]  }
0xef: {  	v1 =	vld [tilespmem:$0x6310]  }
0xf0: {  	v2 =	vld [tilespmem:$0x6320]  }
0xf1: {  	v3 =	vld [tilespmem:$0x6330]  }
0xf2: {  	v4 =	vld [tilespmem:$0x6340]  }
0xf3: {  	v5 =	vld [tilespmem:$0x6350];
	vm0 =	vlt.s32 v0, $0x1  }
0xf4: {  	v6 =	vld [tilespmem:$0x6360];
	vm9 =	vlt.s32 v1, $0x1;
	v0 =	vnsel vm0, $0x1, v0  }
0xf5: {  	v7 =	vld [tilespmem:$0x6370];
	vm10 =	vlt.s32 v2, $0x1;
	v1 =	vnsel vm9, $0x1, v1;
	v0 =	vcvt.s32.f32 v0  }
0xf6: {  	vm11 =	vlt.s32 v3, $0x1;
	v2 =	vnsel vm10, $0x1, v2;
	v1 =	vcvt.s32.f32 v1  }
0xf7: {  	vm12 =	vlt.s32 v4, $0x1;
	v56 =	vnsel vm11, $0x1, v3;
	v55 =	vcvt.s32.f32 v2;
	[tilespmem:$0xC700] =	vst v0  }
0xf8: {  	vm13 =	vlt.s32 v5, $0x1;
	v58 =	vnsel vm12, $0x1, v4;
	v57 =	vcvt.s32.f32 v56;
	[tilespmem:$0xC710] =	vst v1  }
0xf9: {  	vm14 =	vlt.s32 v6, $0x1;
	v60 =	vnsel vm13, $0x1, v5;
	v59 =	vcvt.s32.f32 v58;
	[tilespmem:$0xC720] =	vst v55  }
0xfa: {  	vm15 =	vlt.s32 v7, $0x1;
	v62 =	vnsel vm14, $0x1, v6;
	v61 =	vcvt.s32.f32 v60;
	[tilespmem:$0xC730] =	vst v57  }
0xfb: {  	v63 =	vnsel vm15, $0x1, v7;
	v2 =	vcvt.s32.f32 v62;
	[tilespmem:$0xC740] =	vst v59  }
0xfc: {  	[tilespmem:$0xC750] =	vst v61;
	v0 =	vcvt.s32.f32 v63  }
0xfd: {  	[tilespmem:$0xC760] =	vst v2  }
0xfe: {  	[tilespmem:$0xC770] =	vst v0  }
0xff: {  	_ =	swait.ge [sflag:s24], $0x4000  }
0x100: {  	s1 =	simm.s32 $0x14800;
	s6 =	simm.s32 $0x10;
	[sflag:s24] =	ssyncset.done $0x0  }
0x101: {  	s12 =	sadd.s32 $0x0, s9;
	s11 =	simm.s32 $0x14880;
	[sflag:s24] =	ssyncadd.s32 $0xFFFFC000  }
.LBB2_16:
0x102: {  	[hbm4b:s12+s2] =	stream.linear.scatter [tilespmem:s1], [sflag:$0x7], $0x40, $0x38;
	[tilespmem:$0x1C800] =	vst v63  }
0x103: {  	s12 =	smov.u32 s6;
	s1 =	smov.u32 s11;
	p0 =	sne.s32 s6, $0x7F0  }
.Ltmp7:
0x104: {  	s6 =	sadd.s32 $0x10, s6;
	(pc) =	sbr.rel @p0 .LBB2_16-.Ltmp7, $2  }
0x105: {  	_ =	sdelay $0x2  }
0x106: {  	s11 =	sadd.s32 $0x80, s11;
	s12 =	sadd.s32 s12, s9  }
0x107: {  	[hbm4b:s12+s2] =	stream.linear.scatter [tilespmem:s1], [sflag:$0x7], $0x40, $0x38;
	[tilespmem:$0x1C800] =	vst v63  }
0x108: {  	v0 =	vld [tilespmem:$0x6380]  }
0x109: {  	v1 =	vld [tilespmem:$0x6390]  }
0x10a: {  	v2 =	vld [tilespmem:$0x63A0]  }
0x10b: {  	v3 =	vld [tilespmem:$0x63B0]  }
0x10c: {  	v4 =	vld [tilespmem:$0x63C0]  }
0x10d: {  	v5 =	vld [tilespmem:$0x63D0];
	vm0 =	vlt.s32 v0, $0x1  }
0x10e: {  	v6 =	vld [tilespmem:$0x63E0];
	vm9 =	vlt.s32 v1, $0x1;
	v0 =	vnsel vm0, $0x1, v0  }
0x10f: {  	v7 =	vld [tilespmem:$0x63F0];
	vm10 =	vlt.s32 v2, $0x1;
	v1 =	vnsel vm9, $0x1, v1;
	v0 =	vcvt.s32.f32 v0  }
0x110: {  	vm11 =	vlt.s32 v3, $0x1;
	v2 =	vnsel vm10, $0x1, v2;
	v1 =	vcvt.s32.f32 v1  }
0x111: {  	vm12 =	vlt.s32 v4, $0x1;
	v56 =	vnsel vm11, $0x1, v3;
	v55 =	vcvt.s32.f32 v2;
	[tilespmem:$0xC780] =	vst v0  }
0x112: {  	vm13 =	vlt.s32 v5, $0x1;
	v58 =	vnsel vm12, $0x1, v4;
	v57 =	vcvt.s32.f32 v56;
	[tilespmem:$0xC790] =	vst v1  }
0x113: {  	vm14 =	vlt.s32 v6, $0x1;
	v60 =	vnsel vm13, $0x1, v5;
	v59 =	vcvt.s32.f32 v58;
	[tilespmem:$0xC7A0] =	vst v55  }
0x114: {  	vm15 =	vlt.s32 v7, $0x1;
	v62 =	vnsel vm14, $0x1, v6;
	v61 =	vcvt.s32.f32 v60;
	[tilespmem:$0xC7B0] =	vst v57  }
0x115: {  	v63 =	vnsel vm15, $0x1, v7;
	v2 =	vcvt.s32.f32 v62;
	[tilespmem:$0xC7C0] =	vst v59  }
0x116: {  	[tilespmem:$0xC7D0] =	vst v61;
	v0 =	vcvt.s32.f32 v63  }
0x117: {  	[tilespmem:$0xC7E0] =	vst v2  }
0x118: {  	[tilespmem:$0xC7F0] =	vst v0  }
0x119: {  	_ =	swait.ge [sflag:s26], $0x4000  }
0x11a: {  	s1 =	simm.s32 $0x18800;
	s6 =	simm.s32 $0x10;
	[sflag:s26] =	ssyncset.done $0x0  }
0x11b: {  	s12 =	sadd.s32 $0x0, s10;
	s11 =	simm.s32 $0x18880;
	[sflag:s26] =	ssyncadd.s32 $0xFFFFC000  }
.LBB2_18:
0x11c: {  	[hbm4b:s12+s2] =	stream.linear.scatter [tilespmem:s1], [sflag:$0x8], $0x40, $0x38;
	[tilespmem:$0x1C800] =	vst v63  }
0x11d: {  	s12 =	smov.u32 s6;
	s1 =	smov.u32 s11;
	p0 =	sne.s32 s6, $0x7F0  }
.Ltmp8:
0x11e: {  	s6 =	sadd.s32 $0x10, s6;
	(pc) =	sbr.rel @p0 .LBB2_18-.Ltmp8, $2  }
0x11f: {  	_ =	sdelay $0x2  }
0x120: {  	s11 =	sadd.s32 $0x80, s11;
	s12 =	sadd.s32 s12, s10  }
0x121: {  	[hbm4b:s12+s2] =	stream.linear.scatter [tilespmem:s1], [sflag:$0x8], $0x40, $0x38;
	[tilespmem:$0x1C800] =	vst v63  }
0x122: {  	s19 =	rddreg [dreg:$0x4];
	s6 =	simm.s32 $0x6400  }
0x123: {  	[hbm4b:s19+s2] =	stream.linear.scatter [tilespmem:s6], [sflag:$0x9], $0x6400, $0x38;
	[tilespmem:$0x1C800] =	vst v63  }
0x124: {  	_ =	swait.ge [sflag:s22], $0x2000  }
0x125: {  	[sflag:s22] =	ssyncset.done $0x0  }
0x126: {  	[sflag:s22] =	ssyncadd.s32 $0xFFFFE000  }
0x127: {  	_ =	swait.ge [sflag:s25], $0x2000  }
0x128: {  	[sflag:s25] =	ssyncset.done $0x0  }
0x129: {  	[sflag:s25] =	ssyncadd.s32 $0xFFFFE000  }
0x12a: {  	_ =	swait.ge [sflag:s28], $0x2000  }
0x12b: {  	[sflag:s28] =	ssyncset.done $0x0  }
0x12c: {  	[sflag:s28] =	ssyncadd.s32 $0xFFFFE000  }
0x12d: {  	_ =	swait.ge [sflag:s29], $0x2000  }
0x12e: {  	[sflag:s29] =	ssyncset.done $0x0  }
0x12f: {  	s30 =	simm.s32 $0x9;
	[sflag:s29] =	ssyncadd.s32 $0xFFFFE000  }
0x130: {  	_ =	swait.ge [sflag:s30], $0x6400  }
0x131: {  	s0 =	sadd.s32 $0x1, s0;
	s31 =	rddreg [dreg:$0x5]  }
0x132: {  	p0 =	sne.s32 s0, s31  }
.Ltmp9:
0x133: {  	_ = 	snop;
	(pc) =	sbr.rel @p0 .LBB2_1-.Ltmp9, $3  }
0x134: {  	_ =	sdelay $0x1  }
0x135: {  	[sflag:s30] =	ssyncset.done $0x0  }
0x136: {  	[sflag:s30] =	ssyncadd.s32 $0xFFFF9C00  }
0x137: {  	_ =	sfence.sel $0x180000  }
0x138: {  	[bflag:$0x0] =	sbarrier.arrive $0xFFFF  }
0x139: {  	_ =	strace $0x90000047  }
0x13a: {  	s0 =	stileid.u32;
	[bflag:$0x2] =	sbarrier.arrive $0xFFFF  }
0x13b: {  	p0 =	sne.s32 s0, $0x0;
	s0 =	rddreg [dreg:$0x2]  }
0x13c: {  	s0 =	sadd.s32 @!p0 $0x100000, s0  }
0x13d: {  	[sflag:s0] =	ssyncadd.tile.s32 @!p0 $0x1;
	_ =	shalt  }
.Lfunc_end2:
_tile_overlayer_lowered:
.L_overlay_start_2:
0x13e: {  	(tag) =	ssettag $0x2  }
0x13f: {  	s0 =	rddreg [dreg:$0x0];
	s2 =	stileid.u32  }
0x140: {  	s1 =	rddreg [dreg:$0x1];
	p0 =	sne.s32 s2, $0x0  }
0x141: {  	s3 =	rddreg [dreg:$0x2];
	[bflag:$0x3] =	sbarrier.arrive $0xFFFF;
	s2 =	simm.s32 @!p0 $0x1C0A  }
0x142: {  	[timem:s3], [sflag:s2] =	dma.local @!p0 [hbm:s0], s1  }
0x143: {  	s0 =	simm.s32 @!p0 $0xA  }
0x144: {  	_ =	swait.ge @!p0 [sflag:s0], s1  }
0x145: {  	s1 =	ssub.s32 @!p0 $0x0, s1;
	[sflag:s0] =	ssyncset.done @!p0 $0x0  }
0x146: {  	[sflag:s0] =	ssyncadd.s32 @!p0 s1  }
0x147: {  	[bflag:$0x3] =	sbarrier.arrive $0xFFFF  }
0x148: {  	_ =	shalt  }

// kernel: sparse-core-data-format-call.cloned.1.call-start
scs
called_computation_lowered:
.L_overlay_start_0:
0x0: {  	s2 =	sld [smem:$0x3FD9]  }
0x1: {  	s3 =	sld [smem:$0x3FFE];
	_ =	sdelay $0x1  }
0x2: {  	s1 =	srdreg.scid  }
0x3: {  	s0 =	sand.u32 $0x1, s1  }
0x4: {  	s15 =	sshll.u32 s0, $0xA;
	s2 =	sadd.s32 s3, s2  }
0x5: {  	s2 =	sadd.s32 s2, s15  }
0x6: {  	[smem:$0x3FC6] =	sst s2  }
0x7: {  	_ = 	snop  }
0x8: {  	s2 =	sld [smem:$0x3FD0];
	_ =	sdelay $0x2  }
0x9: {  	s16 =	simm.s32 $0xA;
	s4 =	simm.s32 $0x10  }
0xa: {  	[smem:s4], [sflag:s16] =	dma.local [hbm:s2], $0x1  }
0xb: {  	_ =	swait.eq [sflag:s16], $0x1  }
0xc: {  	[sflag:s16] =	ssyncset.done $0x0  }
0xd: {  	[sflag:s16] =	ssyncadd.s32 $0xFFFFFFFF  }
0xe: {  	s17 =	sld [smem:$0x10];
	(tm) =	ssettm $0x1  }
0xf: {  	s18 =	sld [smem:$0x3FFB];
	_ =	sdelay $0x3  }
0x10: {  	_ =	strace s18  }
0x11: {  	s3 =	sld [smem:$0x3FFC];
	_ =	sdelay $0x3  }
0x12: {  	_ =	strace s3  }
0x13: {  	s3 =	sld [smem:$0x3FFD];
	_ =	sdelay $0x3  }
0x14: {  	_ =	strace s3  }
0x15: {  	_ =	strace $0x8FFFFFFF  }
0x16: {  	s19 =	sld [smem:$0x3FDB];
	_ =	sdelay $0x1  }
0x17: {  	s20 =	simm.s32 $_scs_section_size  }
0x18: {  	s5 =	simm.s32 $_size__tile_overlayer_lowered;
	s6 =	simm.s32 $_tile_overlayer_lowered  }
0x19: {  	s23 =	simm.s32 $0x1BFF;
	s22 =	sshll.u32 s6, $0x1;
	s3 =	sadd.s32 s20, s19  }
0x1a: {  	s7 =	simm.s32 $0x0;
	s21 =	sshll.u32 s5, $0x1;
	s5 =	sadd.s32 s22, s3  }
0x1b: {  	[timem:s7], [sflag:s23] =	dma.local [hbm:s5], s21  }
0x1c: {  	_ =	swait.ge [sflag:s23], s21  }
0x1d: {  	s4 =	ssub.s32 $0x0, s21;
	[sflag:s23] =	ssyncset.done $0x0  }
0x1e: {  	[sflag:s23] =	ssyncadd.s32 s4;
	_ =	sdelay $0x1  }
0x1f: {  	s24 =	simm.s32 $0x1B8B  }
0x20: {  	_ =	swait.ge [sflag:s24], $0x1  }
0x21: {  	[sflag:s24] =	ssyncset.done $0x0  }
0x22: {  	s26 =	simm.s32 $0x1B8E;
	s25 =	sld [smem:$0x3FFE];
	[sflag:s24] =	ssyncadd.s32 $0xFFFFFFFF  }
0x23: {  	s27 =	simm.s32 $execute0_lowered;
	[smem:$0x3FD2] =	sst s26  }
0x24: {  	s5 =	sshll.u32 s27, $0x1;
	_ =	strace $0x80000049;
	[dreg:$0x1] =	wrdreg $0xFFFFFFFF  }
0x25: {  	s28 =	simm.s32 $_size_execute0_lowered;
	s3 =	sadd.s32 s3, s5;
	[dreg:$0x0] =	wrdreg $0x0  }
0x26: {  	s5 =	sshll.u32 s28, $0x1;
	[dreg:$0x2] =	wrdreg s3  }
0x27: {  	[dreg:$0x3] =	wrdreg s5  }
0x28: {  	[dreg:$0x4] =	wrdreg $0xC0  }
0x29: {  	_ =	task [dreg:s7], $0x5FFFF  }
0x2a: {  	[dreg:$0x1] =	wrdreg $0xFFFFFFFF  }
0x2b: {  	[dreg:$0x0] =	wrdreg $0x60  }
0x2c: {  	[dreg:$0x2] =	wrdreg s25  }
0x2d: {  	[dreg:$0x3] =	wrdreg s17  }
0x2e: {  	[dreg:$0x4] =	wrdreg $0x9  }
0x2f: {  	_ =	task.clear_ibuf [dreg:s7], $0x5FFFF;
	_ =	strace $0x90000049  }
0x30: {  	s29 =	simm.s32 $0x9;
	_ =	strace $0x8000004B  }
0x31: {  	_ =	swait.ge [sflag:s29], $0x1  }
0x32: {  	[sflag:s29] =	ssyncadd.s32 $0xFFFFFFFF  }
0x33: {  	_ =	strace $0x9000004B  }
0x34: {  	_ =	sfence  }
0x35: {  	s30 =	sld [smem:$0x0];
	_ =	sdelay $0x2  }
0x36: {  	s31 =	sshll.u32 s1, $0xD;
	s1 =	sshrl.u32 s1, $0x2  }
0x37: {  	s3 =	sand.u32 $0x4000, s31;
	s1 =	sadd.s32 s1, s30  }
0x38: {  	s0 =	sor.u32 s3, s0;
	s1 =	sshll.u32 s1, $0x11  }
0x39: {  	s0 =	sor.u32 s1, s0  }
0x3a: {  	s0 =	sadd.s32 $0x8F2B, s0  }
0x3b: {  	[sflag:s0] =	ssyncadd.remote.s32 $0x1  }
0x3c: {  	_ =	sfence.sel $0xFFFF  }
0x3d: {  	[dreg:$0x0] =	wrdreg $0xFFFFFFFF;
	(pc) =	sbr.abs _section_cstart, $3  }
0x3e: {  	[dreg:$0x1] =	wrdreg $0xFFFFFFFF  }
0x3f: {  	_ =	task.clear_ibuf [dreg:s7], $0x2FFFF;
	_ =	strace $0x9FFFFFFF  }
0x40: {  	(tm) =	ssettm $0x7FFFFFFF  }
0x41: {  	_ =	shalt  }
tec
execute0_lowered:
.L_overlay_start_1:
0x0: {  	(tag) =	ssettag $0x1  }
0x1: {  	s0 =	srdreg.scid  }
0x2: {  	s1 =	sshll.u32 s0, $0x4  }
0x3: {  	s0 =	stileid.u32;
	s1 =	sand.u32 $0x10, s1  }
0x4: {  	s1 =	sor.u32 s0, s1  }
0x5: {  	s6 =	rddreg [dreg:$0x0];
	s4 =	simm.s32 $0x1;
	s2 =	sshll.u32 s1, $0x7  }
0x6: {  	s7 =	simm.s32 $0x2;
	s12 =	simm.s32 $0x0;
	s1 =	ssub.s32 $0x1000, s2  }
0x7: {  	s8 =	simm.s32 $0x8000;
	s13 =	simm.s32 $0x0;
	s3 =	sand.u32 $0xF80, s1  }
0x8: {  	s9 =	simm.s32 $0x0;
	s5 =	sshrl.u32 s1, $0xC;
	p0 =	sne.s32 s3, $0x0  }
.Ltmp0:
0x9: {  	s1 =	rddreg [dreg:$0x2];
	s4 =	simm.s32 @!p0 $0x0;
	(pc) =	sbr.rel .LBB1_1-.Ltmp0, $4  }
0xa: {  	s11 =	simm.s32 $0x0;
	s3 =	rddreg [dreg:$0x1];
	s5 =	sadd.s32 s4, s5  }
0xb: {  	_ =	strace $0x8000004A;
	s4 =	simm.s32 $0x1;
	s5 =	smul.u32 $0xC8, s5  }
0xc: {  	s6 =	sadd.s32 $0xF5C200, s6;
	s10 =	smov.u32 s2;
	[sflag:s4] =	ssyncpa.u1 $0x0  }
0xd: {  	p0 =	por $0x0, $0x0;
	[sflag:s7] =	ssyncpa.u1 $0x0;
	s7 =	sor.u32 $0x1, s5  }
.LBB1_4:
0xe: {  	s16 =	sshll.u32 s13, $0x3;
	s17 =	sand.u32 $0x78, s13  }
0xf: {  	s30 =	sand.u32 $0x7E00, s13;
	s12 =	sshll.u32 s12, $0xF;
	s16 =	sand.u32 $0xC00, s16  }
0x10: {  	[tilespmem:s15+$0x810 ss:$0x81] =	vst.msk $0xffff, v2;
	s31 =	sand.u32 $0x7, s13;
	s16 =	sor.u32 s17, s16;
	s17 =	sadd.s32 s3, s30  }
0x11: {  	[tilespmem:s15+$0x1020 ss:$0x81] =	vst.msk $0xffff, v0;
	s13 =	sshll.u32 s31, $0x12;
	s12 =	sadd.s32 s12, s17;
	s16 =	sshrl.u32 s16, $0x3  }
0x12: {  	[tilespmem:s15+$0x0 ss:$0x81] =	vst.msk $0xffff, v1;
	s13 =	sor.u32 $0x400, s13;
	s12 =	sadd.s32 s16, s12  }
0x13: {  	[hbm4b:s12+s13] =	stream.strided.scatter [tilespmem:s14], [sflag:$0x2], $0x2000, s8, s13, $0x20;
	[tilespmem:$0x8080] =	vst v63  }
.LBB1_5:
0x14: {  	s14 =	sadd.s32 $0x1, s9  }
0x15: {  	s12 =	sadd.s32 $0x1000, s10;
	s16 =	smov.u32 s10;
	p2 =	sgt.s32 s14, $0xC7  }
0x16: {  	s16 =	smov.u32 @p2 s12  }
0x17: {  	s14 =	simm.s32 @p2 $0x0;
	p2 =	sgt.s32 s16, $0xFFF  }
0x18: {  	s16 =	smov.u32 @p2 s2;
	p2 =	sne.s32 s11, s7  }
.Ltmp1:
0x19: {  	p1 =	slt.u32 s11, $0x2;
	(pc) =	sbr.rel @!p2 .LBB1_6-.Ltmp1, $4  }
0x1a: {  	s15 =	simm.s32 @!p1 $0x2  }
0x1b: {  	s13 =	smov.u32 s10;
	p0 =	por !p0, !p0;
	_ =	swait.ge @!p1 [sflag:s15], $0x2000  }
0x1c: {  	s12 =	smov.u32 s9;
	[sflag:s15] =	ssyncset.done @!p1 $0x0;
	s9 =	smov.u32 s14  }
0x1d: {  	s11 =	sadd.s32 $0x1, s11;
	[sflag:s15] =	ssyncadd.s32 @!p1 $0xFFFFE000;
	s10 =	smov.u32 s16  }
.LBB1_1:
0x1e: {  	p1 =	sge.u32 s11, s5  }
0x1f: {  	s14 =	sand.u32 @!p1 $0x1FFFFFF, s9  }
0x20: {  	s15 =	smulhi.u32 @!p1 $0x147AE15, s14;
	_ =	sdelay $0x1  }
0x21: {  	s15 =	smul.u32 @!p1 $0xC8, s15  }
0x22: {  	s16 =	sxor.u32 @!p1 $0xFFFFFFFF, s11;
	s17 =	smul.u32 @!p1 $0xC80, s10  }
0x23: {  	s31 =	sadd.s32 $0xFFFFFFFF, s11;
	s16 =	sshll.u32 @!p1 s16, $0xD;
	s14 =	ssub.s32 @!p1 s14, s15  }
0x24: {  	s15 =	sand.u32 @!p1 $0x2000, s16;
	s16 =	sadd.s32 @!p1 s6, s17;
	s14 =	sshll.u32 @!p1 s14, $0x4  }
0x25: {  	s17 =	simm.s32 @!p1 $0x6400;
	s14 =	sadd.s32 @!p1 s14, s16;
	s16 =	simm.s32 @!p1 $0x40  }
0x26: {  	[tilespmem:s15], [sflag:$0x1] =	stream.strided.gather @!p1 [hbm4b:s14+s16], $0x2000, s17, s16, $0x38;
	[tilespmem:$0x8080] =	vst v63  }
0x27: {  	p1 =	sge.u32 s31, s5  }
.Ltmp2:
0x28: {  	_ = 	snop;
	(pc) =	sbr.rel @p1 .LBB1_5-.Ltmp2, $1  }
0x29: {  	_ =	sdelay $0x3  }
0x2a: {  	s14 =	simm.s32 $0x1  }
0x2b: {  	_ =	swait.ge [sflag:s4], $0x2000;
	s14 =	simm.s32 @!p0 $0x0  }
0x2c: {  	[sflag:s4] =	ssyncset.done $0x0;
	s15 =	sshll.u32 s14, $0xD  }
0x2d: {  	[sflag:s4] =	ssyncadd.s32 $0xFFFFE000;
	s18 =	sor.u32 $0x20, s15  }
0x2e: {  	s14 =	smul.u32 $0x8100, s14;
	v3 =	vld [tilespmem:s18+$0x10]  }
0x2f: {  	s30 =	sand.u32 $0x1, s11;
	v2 =	vld [tilespmem:s18+$0xFFFFFFF0]  }
0x30: {  	s15 =	smul.u32 $0x8100, s30;
	s14 =	sshrl.u32 s14, $0x2;
	v0 =	vld [tilespmem:s18+$0x0]  }
0x31: {  	v1 =	vld [tilespmem:s18+$0xFFFFFFE0];
	s16 =	sor.u32 $0x4000, s14  }
0x32: {  	s31 =	sshrl.u32 s15, $0x2;
	s15 =	sadd.s32 $0x0, s16  }
0x33: {  	s17 =	simm.s32 $0x4;
	s18 =	sadd.s32 $0x40, s18;
	s14 =	sor.u32 $0x4000, s31;
	[tilespmem:s15+$0x1830 ss:$0x81] =	vst.msk $0xffff, v3  }
.LBB1_3:
0x34: {  	v3 =	vld [tilespmem:s18+$0x10];
	p1 =	sne.s32 s17, $0x1FC;
	[tilespmem:s15+$0x810 ss:$0x81] =	vst.msk $0xffff, v2;
	s19 =	smov.u32 s17;
	s17 =	sadd.s32 $0x4, s17  }
.Ltmp3:
0x35: {  	v2 =	vld [tilespmem:s18+$0xFFFFFFF0];
	[tilespmem:s15+$0x1020 ss:$0x81] =	vst.msk $0xffff, v0;
	(pc) =	sbr.rel @p1 .LBB1_3-.Ltmp3, $4  }
0x36: {  	v0 =	vld [tilespmem:s18+$0x0];
	[tilespmem:s15+$0x0 ss:$0x81] =	vst.msk $0xffff, v1  }
0x37: {  	s15 =	sshra.s32 s19, $0x2;
	v1 =	vld [tilespmem:s18+$0xFFFFFFE0]  }
0x38: {  	s15 =	sadd.s32 s15, s16  }
0x39: {  	s18 =	sadd.s32 $0x40, s18;
	[tilespmem:s15+$0x1830 ss:$0x81] =	vst.msk $0xffff, v3  }
.Ltmp4:
0x3a: {  	_ = 	snop;
	(pc) =	sbr.rel .LBB1_4-.Ltmp4, $1  }
0x3b: {  	_ =	sdelay $0x3  }
.LBB1_6:
0x3c: {  	_ =	sfence.sel $0x180000  }
0x3d: {  	s2 =	simm.s32 $0x1;
	[bflag:$0x0] =	sbarrier.arrive $0xFFFF  }
0x3e: {  	s31 =	simm.s32 $0x2;
	[sflag:s2] =	ssyncpa.u1 $0x1  }
0x3f: {  	[sflag:s31] =	ssyncpa.u1 $0x1  }
0x40: {  	p0 =	sne.s32 s0, $0x0;
	_ =	strace $0x9000004A  }
0x41: {  	s0 =	sadd.s32 @!p0 $0x100000, s1;
	[bflag:$0x2] =	sbarrier.arrive $0xFFFF  }
0x42: {  	[sflag:s0] =	ssyncadd.tile.s32 @!p0 $0x1;
	_ =	shalt  }
.Lfunc_end1:
_tile_overlayer_lowered:
.L_overlay_start_2:
0x43: {  	(tag) =	ssettag $0x2  }
0x44: {  	s0 =	rddreg [dreg:$0x0];
	s2 =	stileid.u32  }
0x45: {  	s1 =	rddreg [dreg:$0x1];
	p0 =	sne.s32 s2, $0x0  }
0x46: {  	s3 =	rddreg [dreg:$0x2];
	[bflag:$0x3] =	sbarrier.arrive $0xFFFF;
	s2 =	simm.s32 @!p0 $0x1C01  }
0x47: {  	[timem:s3], [sflag:s2] =	dma.local @!p0 [hbm:s0], s1  }
0x48: {  	s0 =	simm.s32 @!p0 $0x1  }
0x49: {  	_ =	swait.ge @!p0 [sflag:s0], s1  }
0x4a: {  	s1 =	ssub.s32 @!p0 $0x0, s1;
	[sflag:s0] =	ssyncset.done @!p0 $0x0  }
0x4b: {  	[sflag:s0] =	ssyncadd.s32 @!p0 s1  }
0x4c: {  	[bflag:$0x3] =	sbarrier.arrive $0xFFFF  }
0x4d: {  	_ =	shalt  }

</sc_bundles>
